<compile_context>
chip_gen: v7x
topology: tpu7x:2x2x1
jax: 0.10.2.dev20260603
libtpu: 0.0.44.dev20260713+nightly
codegen_flags: <defaults>
</compile_context>

<pallas_src>
import functools

import jax
import jax.numpy as jnp
from jax import lax
from jax.experimental import pallas as pl
from jax.experimental.pallas import tpu as pltpu
from jax.experimental.pallas import tpu_sc as plsc

F32 = jnp.float32

N = 10000
E = 320000
F = 128
H = 128
C = 40
CP = 48

NC = 2
NS = 16
NW = NC * NS
K = 128
NCH = -(-E // K)
CA = 80
CB = (NCH - NS * CA) // NS
CR = NCH - NS * CA - NS * CB
CHM = max(CA, CB + 1)
ECH = NCH + CHM
RPT = ((N // NS) // 8 + 1) * 8
NPAD = RPT * NS

BN = 2000
NB = N // BN



def _worker_span(cid, sid):
    start0 = sid * CA
    start1 = NS * CA + sid * CB + jnp.minimum(sid, CR)
    start = jnp.where(cid == 0, start0, start1)
    nch = jnp.where(cid == 0, CA, CB + jnp.where(sid < CR, 1, 0))
    return start, nch


def _make_segsum(width):
    mesh = plsc.VectorSubcoreMesh(core_axis_name="c", subcore_axis_name="s")
    out_type = jax.ShapeDtypeStruct((NC, NPAD, width), F32)
    scratch = [
        pltpu.VMEM((CHM, K), jnp.int32),
        pltpu.VMEM((CHM, K), jnp.int32),
        pltpu.VMEM((K, width), F32),
        pltpu.VMEM_SHARED((NPAD, width), F32),
        pltpu.SemaphoreType.DMA,
    ]

    def body(y_hbm, edges_hbm, zeros_hbm, out_hbm,
             src_v, dst_v, rows_v, agg_sh, gsem):
        cid = lax.axis_index("c")
        sid = lax.axis_index("s")
        start, nch = _worker_span(cid, sid)

        pltpu.sync_copy(zeros_hbm, agg_sh.at[pl.ds(sid * RPT, RPT)])
        pltpu.sync_copy(edges_hbm.at[0].at[pl.ds(start, CHM)], src_v)
        pltpu.sync_copy(edges_hbm.at[1].at[pl.ds(start, CHM)], dst_v)
        plsc.subcore_barrier()

        def step(c, carry):
            pltpu.async_copy(y_hbm.at[src_v.at[c]], rows_v, gsem).wait()
            pltpu.sync_copy(rows_v, agg_sh.at[dst_v.at[c]], add=True)
            return carry

        lax.fori_loop(0, nch, step, 0)
        plsc.subcore_barrier()
        sl = pl.ds(sid * RPT, RPT)
        pltpu.sync_copy(agg_sh.at[sl], out_hbm.at[cid].at[sl])

    params = pltpu.CompilerParams(use_tc_tiling_on_sc=False)
    return pl.kernel(body, out_type=out_type, mesh=mesh,
                     scratch_types=scratch, compiler_params=params)


def _make_deg():
    mesh = plsc.VectorSubcoreMesh(core_axis_name="c", subcore_axis_name="s")

    def body(edges_hbm, zeros16_hbm, ones_hbm, deg_hbm,
             dst_v, ones_v, deg_sh):
        cid = lax.axis_index("c")
        sid = lax.axis_index("s")
        start, nch = _worker_span(cid, sid)
        pltpu.sync_copy(zeros16_hbm, deg_sh.at[pl.ds(sid * RPT, RPT)])
        pltpu.sync_copy(ones_hbm, ones_v)
        pltpu.sync_copy(edges_hbm.at[1].at[pl.ds(start, CHM)], dst_v)
        plsc.subcore_barrier()

        def step(c, carry):
            pltpu.sync_copy(ones_v, deg_sh.at[dst_v.at[c]], add=True)
            return carry

        lax.fori_loop(0, nch, step, 0)
        plsc.subcore_barrier()
        sl = pl.ds(sid * RPT, RPT)
        pltpu.sync_copy(deg_sh.at[sl], deg_hbm.at[cid].at[sl])

    return pl.kernel(
        body,
        out_type=jax.ShapeDtypeStruct((NC, NPAD, 16), F32),
        mesh=mesh,
        scratch_types=[
            pltpu.VMEM((CHM, K), jnp.int32),
            pltpu.VMEM((K, 16), F32),
            pltpu.VMEM_SHARED((NPAD, 16), F32),
        ],
        compiler_params=pltpu.CompilerParams(use_tc_tiling_on_sc=False),
    )


_segsum_h = _make_segsum(H)
_segsum_c = _make_segsum(CP)
_deg_kernel = _make_deg()



def _entry_body(x_ref, w_ref, y_ref, z_ref):
    acc = jnp.dot(x_ref[...], w_ref[...], preferred_element_type=F32)
    y_ref[...] = acc[:, :H]
    z_ref[...] = acc[:, H:]


def _entry(x, wcat):
    return pl.pallas_call(
        _entry_body,
        grid=(NB,),
        in_specs=[
            pl.BlockSpec((BN, F), lambda i: (i, 0)),
            pl.BlockSpec((F, 2 * H), lambda i: (0, 0)),
        ],
        out_specs=[pl.BlockSpec((BN, H), lambda i: (i, 0))] * 2,
        out_shape=[jax.ShapeDtypeStruct((N, H), F32)] * 2,
    )(x, wcat)


def _agg_combine(p0, p1, d0, d1, b_ref, z_ref):
    deg = d0[0][:, :1] + d1[0][:, :1]
    inv = 1.0 / jnp.maximum(deg, 1.0)
    return (p0[0] + p1[0]) * inv + b_ref[...] + z_ref[...]


def _mid_body(wl, emit_h, p0, p1, d0, d1, z_ref, b_ref, w_ref, *outs):
    h = jnp.maximum(_agg_combine(p0, p1, d0, d1, b_ref, z_ref), 0.0)
    acc = jnp.dot(h, w_ref[...], preferred_element_type=F32)
    outs[0][...] = acc[:, :wl]
    outs[1][...] = acc[:, wl:]
    if emit_h:
        outs[2][...] = h


def _mid(p, d, z, b, wcat, wl, emit_h):
    wtot = wcat.shape[1]
    out_shape = [jax.ShapeDtypeStruct((N, wl), F32),
                 jax.ShapeDtypeStruct((N, wtot - wl), F32)]
    out_specs = [pl.BlockSpec((BN, wl), lambda i: (i, 0)),
                 pl.BlockSpec((BN, wtot - wl), lambda i: (i, 0))]
    if emit_h:
        out_shape.append(jax.ShapeDtypeStruct((N, H), F32))
        out_specs.append(pl.BlockSpec((BN, H), lambda i: (i, 0)))
    return pl.pallas_call(
        functools.partial(_mid_body, wl, emit_h),
        grid=(NB,),
        in_specs=[
            pl.BlockSpec((1, BN, H), lambda i: (0, i, 0)),
            pl.BlockSpec((1, BN, H), lambda i: (1, i, 0)),
            pl.BlockSpec((1, BN, 16), lambda i: (0, i, 0)),
            pl.BlockSpec((1, BN, 16), lambda i: (1, i, 0)),
            pl.BlockSpec((BN, H), lambda i: (i, 0)),
            pl.BlockSpec((1, H), lambda i: (0, 0)),
            pl.BlockSpec((H, wtot), lambda i: (0, 0)),
        ],
        out_specs=out_specs,
        out_shape=out_shape,
    )(p, p, d, d, z, b, wcat)


def _final_body(p0, p1, d0, d1, z_ref, b_ref, out_ref):
    o = _agg_combine(p0, p1, d0, d1, b_ref, z_ref)
    mask = lax.broadcasted_iota(jnp.int32, o.shape, 1) < C
    om = jnp.where(mask, o, -jnp.inf)
    m = jnp.max(om, axis=1, keepdims=True)
    e = jnp.where(mask, jnp.exp(o - m), 0.0)
    lse = jnp.log(jnp.sum(e, axis=1, keepdims=True))
    out_ref[...] = (o - m - lse)[:, :C]


def _final(p, d, z, b):
    return pl.pallas_call(
        _final_body,
        grid=(NB,),
        in_specs=[
            pl.BlockSpec((1, BN, CP), lambda i: (0, i, 0)),
            pl.BlockSpec((1, BN, CP), lambda i: (1, i, 0)),
            pl.BlockSpec((1, BN, 16), lambda i: (0, i, 0)),
            pl.BlockSpec((1, BN, 16), lambda i: (1, i, 0)),
            pl.BlockSpec((BN, CP), lambda i: (i, 0)),
            pl.BlockSpec((1, CP), lambda i: (0, 0)),
        ],
        out_specs=pl.BlockSpec((BN, C), lambda i: (i, 0)),
        out_shape=jax.ShapeDtypeStruct((N, C), F32),
    )(p, p, d, d, z, b)



def kernel(x, edge_index, W1l, b1, W1r, W2l, b2, W2r, W3l, b3, W3r):
    er = jnp.pad(edge_index.astype(jnp.int32),
                 ((0, 0), (0, ECH * K - E))).reshape(2, ECH, K)

    zeros_h = jnp.zeros((RPT, H), F32)
    zeros_c = jnp.zeros((RPT, CP), F32)
    zeros16 = jnp.zeros((RPT, 16), F32)
    ones16 = jnp.ones((K, 16), F32)

    w1 = jnp.concatenate([W1l, W1r], axis=0).T
    w2 = jnp.concatenate([W2l, W2r], axis=0).T
    w3l = jnp.pad(W3l, ((0, CP - C), (0, 0)))
    w3r = jnp.pad(W3r, ((0, CP - C), (0, 0)))
    w3 = jnp.concatenate([w3l, w3r], axis=0).T
    b1r = b1.reshape(1, H)
    b2r = b2.reshape(1, H)
    b3r = jnp.pad(b3, (0, CP - C)).reshape(1, CP)

    deg = _deg_kernel(er, zeros16, ones16)
    y1, z1 = _entry(x, w1)
    p1 = _segsum_h(y1, er, zeros_h)
    y2, z2 = _mid(p1, deg, z1, b1r, w2, H, False)
    p2 = _segsum_h(y2, er, zeros_h)
    y3, z3, h2 = _mid(p2, deg, z2, b2r, w3, CP, True)
    p3 = _segsum_c(y3, er, zeros_c)
    logp = _final(p3, deg, z3, b3r)
    return logp, h2

# --- scband reference (transcript-rebuilt; emitter-appended) ---
"""Pipeline reference for scband-graph-sage-14980845929105 (READ-ONLY COPY).

The authoritative reference and input builder live on the scoring server;
editing this copy changes nothing except your own understanding.
"""

import jax, jax.numpy as jnp
import numpy as np


def sage_conv(x, src, dst, Wl, bl, Wr, num_nodes):
    # PyG SAGEConv with mean aggregation:
    # out = lin_l(mean_{j in N(i)} x_j) + lin_r(x_i), bias only in lin_l
    msgs = x[src]
    agg = jax.ops.segment_sum(msgs, dst, num_segments=num_nodes)
    deg = jax.ops.segment_sum(jnp.ones((src.shape[0],), x.dtype), dst, num_segments=num_nodes)
    mean = agg / jnp.clip(deg, 1.0)[:, None]
    return mean @ Wl.T + bl + x @ Wr.T


def setup_inputs(seed: int = 0) -> dict:
    key = jax.random.key(seed)
    ks = jax.random.split(key, 12)
    N, E = 10000, 320000
    F, H, C = 128, 128, 40
    x = jax.random.normal(ks[0], (N, F), dtype=jnp.float32)
    edge_index = jax.random.randint(ks[1], (2, E), 0, N)
    s = 0.08
    params = {
        'W1l': s * jax.random.normal(ks[2], (H, F), dtype=jnp.float32),
        'b1': jnp.zeros((H,), dtype=jnp.float32),
        'W1r': s * jax.random.normal(ks[3], (H, F), dtype=jnp.float32),
        'W2l': s * jax.random.normal(ks[4], (H, H), dtype=jnp.float32),
        'b2': jnp.zeros((H,), dtype=jnp.float32),
        'W2r': s * jax.random.normal(ks[5], (H, H), dtype=jnp.float32),
        'W3l': s * jax.random.normal(ks[6], (C, H), dtype=jnp.float32),
        'b3': jnp.zeros((C,), dtype=jnp.float32),
        'W3r': s * jax.random.normal(ks[7], (C, H), dtype=jnp.float32),
    }
    return {'x': x, 'edge_index': edge_index, **params}


def reference(x, edge_index, W1l, b1, W1r, W2l, b2, W2r, W3l, b3, W3r):
    # dropout is identity at inference (training=False)
    src, dst = edge_index[0], edge_index[1]
    N = x.shape[0]
    h = sage_conv(x, src, dst, W1l, b1, W1r, N)
    h = jax.nn.relu(h)
    h = sage_conv(h, src, dst, W2l, b2, W2r, N)
    h = jax.nn.relu(h)
    embeddings = h
    out = sage_conv(h, src, dst, W3l, b3, W3r, N)
    return jax.nn.log_softmax(out, axis=1), embeddings

if __name__ == "__main__":
    import jax
    _d = setup_inputs()
    print(jax.jit(kernel)(*tuple(_d.values())))

</pallas_src>

<mosaic_0001>
#map = affine_map<(d0, d1) -> (0, 0)>
#map1 = affine_map<(d0, d1) -> (0, 0, 0)>
module attributes {stable_mosaic.version = 14 : i64} {
  func.func @body(%arg0: i32, %arg1: i32, %arg2: memref<10000x128xf32, #tpu.memory_space<hbm>>, %arg3: memref<2x2580x128xi32, #tpu.memory_space<hbm>>, %arg4: memref<632x128xf32, #tpu.memory_space<hbm>>, %arg5: memref<2x10112x128xf32, #tpu.memory_space<hbm>>, %arg6: memref<80x128xi32, #tpu.memory_space<vmem>>, %arg7: memref<80x128xi32, #tpu.memory_space<vmem>>, %arg8: memref<128x128xf32, #tpu.memory_space<vmem>>, %arg9: memref<10112x128xf32, #tpu.memory_space<vmem_shared>>, %arg10: memref<!tpu.dma_semaphore, #tpu.memory_space<semaphore_mem>>) attributes {dimension_semantics = [#tpu.dimension_semantics<core_parallel>, #tpu.dimension_semantics<subcore_parallel>], iteration_bounds = array<i64: 2, 16>, scalar_prefetch = 0 : i64, scratch_operands = 5 : i64, tpu.core_type = #tpu.core_type<sc_vector_subcore>, window_params = [{transform_indices = #map}, {transform_indices = #map1}, {transform_indices = #map}, {transform_indices = #map1}]} {
    %mul3A = arith.constant 80 : i32
    %mul3A_0 = arith.muli %arg1, %mul3A : i32
    %mul3A_1 = arith.constant 76 : i32
    %mul3A_2 = arith.muli %arg1, %mul3A_1 : i32
    %add3A = arith.constant 1280 : i32
    %add3A_3 = arith.addi %add3A, %mul3A_2 : i32
    %min3A = arith.constant 4 : i32
    %min3A_4 = arith.minsi %arg1, %min3A : i32
    %add3A_5 = arith.addi %add3A_3, %min3A_4 : i32
    %eq3A = arith.constant 0 : i32
    %eq3A_6 = arith.cmpi eq, %arg0, %eq3A : i32
    %select_n3A = arith.select %eq3A_6, %mul3A_0, %add3A_5 : i32
    %eq3A_7 = arith.constant 0 : i32
    %eq3A_8 = arith.cmpi eq, %arg0, %eq3A_7 : i32
    %lt3A = arith.constant 4 : i32
    %lt3A_9 = arith.cmpi slt, %arg1, %lt3A : i32
    %jit3A = arith.constant 1 : i32
    %jit3A_10 = arith.constant 0 : i32
    %select_n3A_11 = arith.select %lt3A_9, %jit3A, %jit3A_10 : i32
    %add3A_12 = arith.constant 76 : i32
    %add3A_13 = arith.addi %add3A_12, %select_n3A_11 : i32
    %jit3A_14 = arith.constant 80 : i32
    %select_n3A_15 = arith.select %eq3A_8, %jit3A_14, %add3A_13 : i32
    %mul3A_16 = arith.constant 632 : i32
    %mul3A_17 = arith.muli %arg1, %mul3A_16 : i32
    "tpu.region"() ({
      %run_scoped3A_31 = tpu.sem_alloc : memref<!tpu.dma_semaphore, #tpu.memory_space<semaphore_mem>>
      %dma_start3A = arith.constant 0 : i32
      %dma_start3A_32 = tpu.memref_slice %arg9[%mul3A_17, %dma_start3A] : memref<10112x128xf32, #tpu.memory_space<vmem_shared>> -> memref<632x128xf32, #tpu.memory_space<vmem_shared>>
      tpu.enqueue_dma source(%arg4 : memref<632x128xf32, #tpu.memory_space<hbm>>) target(%dma_start3A_32 : memref<632x128xf32, #tpu.memory_space<vmem_shared>>) target_semaphore(%run_scoped3A_31 : memref<!tpu.dma_semaphore, #tpu.memory_space<semaphore_mem>>)
      %dma_wait3A = arith.constant 0 : i32
      %dma_wait3A_33 = tpu.memref_slice %arg9[%mul3A_17, %dma_wait3A] : memref<10112x128xf32, #tpu.memory_space<vmem_shared>> -> memref<632x128xf32, #tpu.memory_space<vmem_shared>>
      tpu.wait_dma2 semaphore(%run_scoped3A_31 : memref<!tpu.dma_semaphore, #tpu.memory_space<semaphore_mem>>) src(%arg4 : memref<632x128xf32, #tpu.memory_space<hbm>>) dst(%dma_wait3A_33 : memref<632x128xf32, #tpu.memory_space<vmem_shared>>)
      tpu.yield
    }) : () -> ()
    %run_scoped3A = arith.constant 0 : i32
    "tpu.region"() ({
      %run_scoped3A_31 = tpu.sem_alloc : memref<!tpu.dma_semaphore, #tpu.memory_space<semaphore_mem>>
      %dma_start3A = arith.constant 0 : i32
      %dma_start3A_32 = arith.constant 0 : i32
      %dma_start3A_33 = tpu.memref_slice %arg3[%run_scoped3A, %dma_start3A, %dma_start3A_32] : memref<2x2580x128xi32, #tpu.memory_space<hbm>> -> memref<1x2580x128xi32, #tpu.memory_space<hbm>>
      %dma_start3A_34 = tpu.memref_squeeze %dma_start3A_33 : memref<1x2580x128xi32, #tpu.memory_space<hbm>> -> memref<2580x128xi32, #tpu.memory_space<hbm>>
      %dma_start3A_35 = arith.constant 0 : i32
      %dma_start3A_36 = tpu.memref_slice %dma_start3A_34[%select_n3A, %dma_start3A_35] : memref<2580x128xi32, #tpu.memory_space<hbm>> -> memref<80x128xi32, #tpu.memory_space<hbm>>
      %dma_start3A_37 = arith.constant 0 : i32
      %dma_start3A_38 = arith.constant 0 : i32
      %dma_start3A_39 = tpu.memref_slice %arg3[%run_scoped3A, %dma_start3A_37, %dma_start3A_38] : memref<2x2580x128xi32, #tpu.memory_space<hbm>> -> memref<1x2580x128xi32, #tpu.memory_space<hbm>>
      %dma_start3A_40 = tpu.memref_squeeze %dma_start3A_39 : memref<1x2580x128xi32, #tpu.memory_space<hbm>> -> memref<2580x128xi32, #tpu.memory_space<hbm>>
      %dma_start3A_41 = arith.constant 0 : i32
      %dma_start3A_42 = tpu.memref_slice %dma_start3A_40[%select_n3A, %dma_start3A_41] : memref<2580x128xi32, #tpu.memory_space<hbm>> -> memref<80x128xi32, #tpu.memory_space<hbm>>
      tpu.enqueue_dma source(%dma_start3A_42 : memref<80x128xi32, #tpu.memory_space<hbm>>) target(%arg6 : memref<80x128xi32, #tpu.memory_space<vmem>>) target_semaphore(%run_scoped3A_31 : memref<!tpu.dma_semaphore, #tpu.memory_space<semaphore_mem>>)
      %dma_wait3A = arith.constant 0 : i32
      %dma_wait3A_43 = arith.constant 0 : i32
      %dma_wait3A_44 = tpu.memref_slice %arg3[%run_scoped3A, %dma_wait3A, %dma_wait3A_43] : memref<2x2580x128xi32, #tpu.memory_space<hbm>> -> memref<1x2580x128xi32, #tpu.memory_space<hbm>>
      %dma_wait3A_45 = tpu.memref_squeeze %dma_wait3A_44 : memref<1x2580x128xi32, #tpu.memory_space<hbm>> -> memref<2580x128xi32, #tpu.memory_space<hbm>>
      %dma_wait3A_46 = arith.constant 0 : i32
      %dma_wait3A_47 = tpu.memref_slice %dma_wait3A_45[%select_n3A, %dma_wait3A_46] : memref<2580x128xi32, #tpu.memory_space<hbm>> -> memref<80x128xi32, #tpu.memory_space<hbm>>
      %dma_wait3A_48 = arith.constant 0 : i32
      %dma_wait3A_49 = arith.constant 0 : i32
      %dma_wait3A_50 = tpu.memref_slice %arg3[%run_scoped3A, %dma_wait3A_48, %dma_wait3A_49] : memref<2x2580x128xi32, #tpu.memory_space<hbm>> -> memref<1x2580x128xi32, #tpu.memory_space<hbm>>
      %dma_wait3A_51 = tpu.memref_squeeze %dma_wait3A_50 : memref<1x2580x128xi32, #tpu.memory_space<hbm>> -> memref<2580x128xi32, #tpu.memory_space<hbm>>
      %dma_wait3A_52 = arith.constant 0 : i32
      %dma_wait3A_53 = tpu.memref_slice %dma_wait3A_51[%select_n3A, %dma_wait3A_52] : memref<2580x128xi32, #tpu.memory_space<hbm>> -> memref<80x128xi32, #tpu.memory_space<hbm>>
      tpu.wait_dma2 semaphore(%run_scoped3A_31 : memref<!tpu.dma_semaphore, #tpu.memory_space<semaphore_mem>>) src(%dma_wait3A_53 : memref<80x128xi32, #tpu.memory_space<hbm>>) dst(%arg6 : memref<80x128xi32, #tpu.memory_space<vmem>>)
      tpu.yield
    }) : () -> ()
    %run_scoped3A_18 = arith.constant 1 : i32
    "tpu.region"() ({
      %run_scoped3A_31 = tpu.sem_alloc : memref<!tpu.dma_semaphore, #tpu.memory_space<semaphore_mem>>
      %dma_start3A = arith.constant 0 : i32
      %dma_start3A_32 = arith.constant 0 : i32
      %dma_start3A_33 = tpu.memref_slice %arg3[%run_scoped3A_18, %dma_start3A, %dma_start3A_32] : memref<2x2580x128xi32, #tpu.memory_space<hbm>> -> memref<1x2580x128xi32, #tpu.memory_space<hbm>>
      %dma_start3A_34 = tpu.memref_squeeze %dma_start3A_33 : memref<1x2580x128xi32, #tpu.memory_space<hbm>> -> memref<2580x128xi32, #tpu.memory_space<hbm>>
      %dma_start3A_35 = arith.constant 0 : i32
      %dma_start3A_36 = tpu.memref_slice %dma_start3A_34[%select_n3A, %dma_start3A_35] : memref<2580x128xi32, #tpu.memory_space<hbm>> -> memref<80x128xi32, #tpu.memory_space<hbm>>
      %dma_start3A_37 = arith.constant 0 : i32
      %dma_start3A_38 = arith.constant 0 : i32
      %dma_start3A_39 = tpu.memref_slice %arg3[%run_scoped3A_18, %dma_start3A_37, %dma_start3A_38] : memref<2x2580x128xi32, #tpu.memory_space<hbm>> -> memref<1x2580x128xi32, #tpu.memory_space<hbm>>
      %dma_start3A_40 = tpu.memref_squeeze %dma_start3A_39 : memref<1x2580x128xi32, #tpu.memory_space<hbm>> -> memref<2580x128xi32, #tpu.memory_space<hbm>>
      %dma_start3A_41 = arith.constant 0 : i32
      %dma_start3A_42 = tpu.memref_slice %dma_start3A_40[%select_n3A, %dma_start3A_41] : memref<2580x128xi32, #tpu.memory_space<hbm>> -> memref<80x128xi32, #tpu.memory_space<hbm>>
      tpu.enqueue_dma source(%dma_start3A_42 : memref<80x128xi32, #tpu.memory_space<hbm>>) target(%arg7 : memref<80x128xi32, #tpu.memory_space<vmem>>) target_semaphore(%run_scoped3A_31 : memref<!tpu.dma_semaphore, #tpu.memory_space<semaphore_mem>>)
      %dma_wait3A = arith.constant 0 : i32
      %dma_wait3A_43 = arith.constant 0 : i32
      %dma_wait3A_44 = tpu.memref_slice %arg3[%run_scoped3A_18, %dma_wait3A, %dma_wait3A_43] : memref<2x2580x128xi32, #tpu.memory_space<hbm>> -> memref<1x2580x128xi32, #tpu.memory_space<hbm>>
      %dma_wait3A_45 = tpu.memref_squeeze %dma_wait3A_44 : memref<1x2580x128xi32, #tpu.memory_space<hbm>> -> memref<2580x128xi32, #tpu.memory_space<hbm>>
      %dma_wait3A_46 = arith.constant 0 : i32
      %dma_wait3A_47 = tpu.memref_slice %dma_wait3A_45[%select_n3A, %dma_wait3A_46] : memref<2580x128xi32, #tpu.memory_space<hbm>> -> memref<80x128xi32, #tpu.memory_space<hbm>>
      %dma_wait3A_48 = arith.constant 0 : i32
      %dma_wait3A_49 = arith.constant 0 : i32
      %dma_wait3A_50 = tpu.memref_slice %arg3[%run_scoped3A_18, %dma_wait3A_48, %dma_wait3A_49] : memref<2x2580x128xi32, #tpu.memory_space<hbm>> -> memref<1x2580x128xi32, #tpu.memory_space<hbm>>
      %dma_wait3A_51 = tpu.memref_squeeze %dma_wait3A_50 : memref<1x2580x128xi32, #tpu.memory_space<hbm>> -> memref<2580x128xi32, #tpu.memory_space<hbm>>
      %dma_wait3A_52 = arith.constant 0 : i32
      %dma_wait3A_53 = tpu.memref_slice %dma_wait3A_51[%select_n3A, %dma_wait3A_52] : memref<2580x128xi32, #tpu.memory_space<hbm>> -> memref<80x128xi32, #tpu.memory_space<hbm>>
      tpu.wait_dma2 semaphore(%run_scoped3A_31 : memref<!tpu.dma_semaphore, #tpu.memory_space<semaphore_mem>>) src(%dma_wait3A_53 : memref<80x128xi32, #tpu.memory_space<hbm>>) dst(%arg7 : memref<80x128xi32, #tpu.memory_space<vmem>>)
      tpu.yield
    }) : () -> ()
    %barrier3A = arith.constant 0 : index
    tpu.barrier barrier_id(%barrier3A)
    %while3A = arith.constant 0 : i32
    %while3A_19 = arith.constant 0 : i32
    %while3A_20 = arith.subi %select_n3A_15, %while3A_19 : i32
    %while3A_21 = arith.addi %while3A_19, %while3A_20 : i32
    %while3A_22 = arith.constant 1 : i32
    %while3A_23 = arith.divsi %while3A_20, %while3A_22 : i32
    %while3A_24 = arith.muli %while3A_23, %while3A_22 : i32
    %while3A_25 = arith.addi %while3A_19, %while3A_24 : i32
    %while3A_26 = arith.constant 1 : i32
    scf.for %while3A_31 = %while3A_19 to %while3A_25 step %while3A_26  : i32 {
      %dma_start3A = arith.constant 0 : i32
      %dma_start3A_32 = tpu.memref_slice %arg6[%while3A_31, %dma_start3A] : memref<80x128xi32, #tpu.memory_space<vmem>> -> memref<1x128xi32, #tpu.memory_space<vmem>>
      %dma_start3A_33 = tpu.memref_squeeze %dma_start3A_32 : memref<1x128xi32, #tpu.memory_space<vmem>> -> memref<128xi32, #tpu.memory_space<vmem>>
      %dma_start3A_34 = arith.constant 0 : i32
      %dma_start3A_35 = arith.constant 0 : i32
      %dma_start3A_36 = tpu.memref_slice %arg2[%dma_start3A_34, %dma_start3A_35] : memref<10000x128xf32, #tpu.memory_space<hbm>> -> memref<10000x128xf32, #tpu.memory_space<hbm>>
      tpu.enqueue_indirect_dma source(%dma_start3A_36 : memref<10000x128xf32, #tpu.memory_space<hbm>>) target(%arg8 : memref<128x128xf32, #tpu.memory_space<vmem>>) offsets(%dma_start3A_33 : memref<128xi32, #tpu.memory_space<vmem>>) semaphore(%arg10 : memref<!tpu.dma_semaphore, #tpu.memory_space<semaphore_mem>>)
      %dma_wait3A = arith.constant 0 : i32
      %dma_wait3A_37 = tpu.memref_slice %arg6[%while3A_31, %dma_wait3A] : memref<80x128xi32, #tpu.memory_space<vmem>> -> memref<1x128xi32, #tpu.memory_space<vmem>>
      %dma_wait3A_38 = tpu.memref_squeeze %dma_wait3A_37 : memref<1x128xi32, #tpu.memory_space<vmem>> -> memref<128xi32, #tpu.memory_space<vmem>>
      %dma_wait3A_39 = arith.constant 0 : i32
      %dma_wait3A_40 = arith.constant 0 : i32
      %dma_wait3A_41 = tpu.memref_slice %arg2[%dma_wait3A_39, %dma_wait3A_40] : memref<10000x128xf32, #tpu.memory_space<hbm>> -> memref<10000x128xf32, #tpu.memory_space<hbm>>
      tpu.wait_indirect_dma semaphore(%arg10 : memref<!tpu.dma_semaphore, #tpu.memory_space<semaphore_mem>>) src(%dma_wait3A_41 : memref<10000x128xf32, #tpu.memory_space<hbm>>) dst(%arg8 : memref<128x128xf32, #tpu.memory_space<vmem>>)
      "tpu.region"() ({
        %run_scoped3A_42 = tpu.sem_alloc : memref<!tpu.dma_semaphore, #tpu.memory_space<semaphore_mem>>
        %dma_start3A_43 = arith.constant 0 : i32
        %dma_start3A_44 = tpu.memref_slice %arg7[%while3A_31, %dma_start3A_43] : memref<80x128xi32, #tpu.memory_space<vmem>> -> memref<1x128xi32, #tpu.memory_space<vmem>>
        %dma_start3A_45 = tpu.memref_squeeze %dma_start3A_44 : memref<1x128xi32, #tpu.memory_space<vmem>> -> memref<128xi32, #tpu.memory_space<vmem>>
        %dma_start3A_46 = arith.constant 0 : i32
        %dma_start3A_47 = arith.constant 0 : i32
        %dma_start3A_48 = tpu.memref_slice %arg9[%dma_start3A_46, %dma_start3A_47] : memref<10112x128xf32, #tpu.memory_space<vmem_shared>> -> memref<10112x128xf32, #tpu.memory_space<vmem_shared>>
        tpu.enqueue_indirect_dma source(%arg8 : memref<128x128xf32, #tpu.memory_space<vmem>>) target(%dma_start3A_48 : memref<10112x128xf32, #tpu.memory_space<vmem_shared>>) offsets(%dma_start3A_45 : memref<128xi32, #tpu.memory_space<vmem>>) semaphore(%run_scoped3A_42 : memref<!tpu.dma_semaphore, #tpu.memory_space<semaphore_mem>>) {add = true}
        %dma_wait3A_49 = arith.constant 0 : i32
        %dma_wait3A_50 = tpu.memref_slice %arg7[%while3A_31, %dma_wait3A_49] : memref<80x128xi32, #tpu.memory_space<vmem>> -> memref<1x128xi32, #tpu.memory_space<vmem>>
        %dma_wait3A_51 = tpu.memref_squeeze %dma_wait3A_50 : memref<1x128xi32, #tpu.memory_space<vmem>> -> memref<128xi32, #tpu.memory_space<vmem>>
        %dma_wait3A_52 = arith.constant 0 : i32
        %dma_wait3A_53 = arith.constant 0 : i32
        %dma_wait3A_54 = tpu.memref_slice %arg9[%dma_wait3A_52, %dma_wait3A_53] : memref<10112x128xf32, #tpu.memory_space<vmem_shared>> -> memref<10112x128xf32, #tpu.memory_space<vmem_shared>>
        tpu.wait_indirect_dma semaphore(%run_scoped3A_42 : memref<!tpu.dma_semaphore, #tpu.memory_space<semaphore_mem>>) src(%arg8 : memref<128x128xf32, #tpu.memory_space<vmem>>) dst(%dma_wait3A_54 : memref<10112x128xf32, #tpu.memory_space<vmem_shared>>)
        tpu.yield
      }) : () -> ()
    }
    %while3A_27 = arith.constant 1 : i32
    scf.for %while3A_31 = %while3A_25 to %while3A_21 step %while3A_27  : i32 {
      %dma_start3A = arith.constant 0 : i32
      %dma_start3A_32 = tpu.memref_slice %arg6[%while3A_31, %dma_start3A] : memref<80x128xi32, #tpu.memory_space<vmem>> -> memref<1x128xi32, #tpu.memory_space<vmem>>
      %dma_start3A_33 = tpu.memref_squeeze %dma_start3A_32 : memref<1x128xi32, #tpu.memory_space<vmem>> -> memref<128xi32, #tpu.memory_space<vmem>>
      %dma_start3A_34 = arith.constant 0 : i32
      %dma_start3A_35 = arith.constant 0 : i32
      %dma_start3A_36 = tpu.memref_slice %arg2[%dma_start3A_34, %dma_start3A_35] : memref<10000x128xf32, #tpu.memory_space<hbm>> -> memref<10000x128xf32, #tpu.memory_space<hbm>>
      tpu.enqueue_indirect_dma source(%dma_start3A_36 : memref<10000x128xf32, #tpu.memory_space<hbm>>) target(%arg8 : memref<128x128xf32, #tpu.memory_space<vmem>>) offsets(%dma_start3A_33 : memref<128xi32, #tpu.memory_space<vmem>>) semaphore(%arg10 : memref<!tpu.dma_semaphore, #tpu.memory_space<semaphore_mem>>)
      %dma_wait3A = arith.constant 0 : i32
      %dma_wait3A_37 = tpu.memref_slice %arg6[%while3A_31, %dma_wait3A] : memref<80x128xi32, #tpu.memory_space<vmem>> -> memref<1x128xi32, #tpu.memory_space<vmem>>
      %dma_wait3A_38 = tpu.memref_squeeze %dma_wait3A_37 : memref<1x128xi32, #tpu.memory_space<vmem>> -> memref<128xi32, #tpu.memory_space<vmem>>
      %dma_wait3A_39 = arith.constant 0 : i32
      %dma_wait3A_40 = arith.constant 0 : i32
      %dma_wait3A_41 = tpu.memref_slice %arg2[%dma_wait3A_39, %dma_wait3A_40] : memref<10000x128xf32, #tpu.memory_space<hbm>> -> memref<10000x128xf32, #tpu.memory_space<hbm>>
      tpu.wait_indirect_dma semaphore(%arg10 : memref<!tpu.dma_semaphore, #tpu.memory_space<semaphore_mem>>) src(%dma_wait3A_41 : memref<10000x128xf32, #tpu.memory_space<hbm>>) dst(%arg8 : memref<128x128xf32, #tpu.memory_space<vmem>>)
      "tpu.region"() ({
        %run_scoped3A_42 = tpu.sem_alloc : memref<!tpu.dma_semaphore, #tpu.memory_space<semaphore_mem>>
        %dma_start3A_43 = arith.constant 0 : i32
        %dma_start3A_44 = tpu.memref_slice %arg7[%while3A_31, %dma_start3A_43] : memref<80x128xi32, #tpu.memory_space<vmem>> -> memref<1x128xi32, #tpu.memory_space<vmem>>
        %dma_start3A_45 = tpu.memref_squeeze %dma_start3A_44 : memref<1x128xi32, #tpu.memory_space<vmem>> -> memref<128xi32, #tpu.memory_space<vmem>>
        %dma_start3A_46 = arith.constant 0 : i32
        %dma_start3A_47 = arith.constant 0 : i32
        %dma_start3A_48 = tpu.memref_slice %arg9[%dma_start3A_46, %dma_start3A_47] : memref<10112x128xf32, #tpu.memory_space<vmem_shared>> -> memref<10112x128xf32, #tpu.memory_space<vmem_shared>>
        tpu.enqueue_indirect_dma source(%arg8 : memref<128x128xf32, #tpu.memory_space<vmem>>) target(%dma_start3A_48 : memref<10112x128xf32, #tpu.memory_space<vmem_shared>>) offsets(%dma_start3A_45 : memref<128xi32, #tpu.memory_space<vmem>>) semaphore(%run_scoped3A_42 : memref<!tpu.dma_semaphore, #tpu.memory_space<semaphore_mem>>) {add = true}
        %dma_wait3A_49 = arith.constant 0 : i32
        %dma_wait3A_50 = tpu.memref_slice %arg7[%while3A_31, %dma_wait3A_49] : memref<80x128xi32, #tpu.memory_space<vmem>> -> memref<1x128xi32, #tpu.memory_space<vmem>>
        %dma_wait3A_51 = tpu.memref_squeeze %dma_wait3A_50 : memref<1x128xi32, #tpu.memory_space<vmem>> -> memref<128xi32, #tpu.memory_space<vmem>>
        %dma_wait3A_52 = arith.constant 0 : i32
        %dma_wait3A_53 = arith.constant 0 : i32
        %dma_wait3A_54 = tpu.memref_slice %arg9[%dma_wait3A_52, %dma_wait3A_53] : memref<10112x128xf32, #tpu.memory_space<vmem_shared>> -> memref<10112x128xf32, #tpu.memory_space<vmem_shared>>
        tpu.wait_indirect_dma semaphore(%run_scoped3A_42 : memref<!tpu.dma_semaphore, #tpu.memory_space<semaphore_mem>>) src(%arg8 : memref<128x128xf32, #tpu.memory_space<vmem>>) dst(%dma_wait3A_54 : memref<10112x128xf32, #tpu.memory_space<vmem_shared>>)
        tpu.yield
      }) : () -> ()
    }
    %barrier3A_28 = arith.constant 0 : index
    tpu.barrier barrier_id(%barrier3A_28)
    %mul3A_29 = arith.constant 632 : i32
    %mul3A_30 = arith.muli %arg1, %mul3A_29 : i32
    "tpu.region"() ({
      %run_scoped3A_31 = tpu.sem_alloc : memref<!tpu.dma_semaphore, #tpu.memory_space<semaphore_mem>>
      %dma_start3A = arith.constant 0 : i32
      %dma_start3A_32 = arith.constant 0 : i32
      %dma_start3A_33 = tpu.memref_slice %arg5[%arg0, %dma_start3A, %dma_start3A_32] : memref<2x10112x128xf32, #tpu.memory_space<hbm>> -> memref<1x10112x128xf32, #tpu.memory_space<hbm>>
      %dma_start3A_34 = tpu.memref_squeeze %dma_start3A_33 : memref<1x10112x128xf32, #tpu.memory_space<hbm>> -> memref<10112x128xf32, #tpu.memory_space<hbm>>
      %dma_start3A_35 = arith.constant 0 : i32
      %dma_start3A_36 = tpu.memref_slice %dma_start3A_34[%mul3A_30, %dma_start3A_35] : memref<10112x128xf32, #tpu.memory_space<hbm>> -> memref<632x128xf32, #tpu.memory_space<hbm>>
      %dma_start3A_37 = arith.constant 0 : i32
      %dma_start3A_38 = tpu.memref_slice %arg9[%mul3A_30, %dma_start3A_37] : memref<10112x128xf32, #tpu.memory_space<vmem_shared>> -> memref<632x128xf32, #tpu.memory_space<vmem_shared>>
      tpu.enqueue_dma source(%dma_start3A_38 : memref<632x128xf32, #tpu.memory_space<vmem_shared>>) target(%dma_start3A_36 : memref<632x128xf32, #tpu.memory_space<hbm>>) target_semaphore(%run_scoped3A_31 : memref<!tpu.dma_semaphore, #tpu.memory_space<semaphore_mem>>)
      %dma_wait3A = arith.constant 0 : i32
      %dma_wait3A_39 = arith.constant 0 : i32
      %dma_wait3A_40 = tpu.memref_slice %arg5[%arg0, %dma_wait3A, %dma_wait3A_39] : memref<2x10112x128xf32, #tpu.memory_space<hbm>> -> memref<1x10112x128xf32, #tpu.memory_space<hbm>>
      %dma_wait3A_41 = tpu.memref_squeeze %dma_wait3A_40 : memref<1x10112x128xf32, #tpu.memory_space<hbm>> -> memref<10112x128xf32, #tpu.memory_space<hbm>>
      %dma_wait3A_42 = arith.constant 0 : i32
      %dma_wait3A_43 = tpu.memref_slice %dma_wait3A_41[%mul3A_30, %dma_wait3A_42] : memref<10112x128xf32, #tpu.memory_space<hbm>> -> memref<632x128xf32, #tpu.memory_space<hbm>>
      %dma_wait3A_44 = arith.constant 0 : i32
      %dma_wait3A_45 = tpu.memref_slice %arg9[%mul3A_30, %dma_wait3A_44] : memref<10112x128xf32, #tpu.memory_space<vmem_shared>> -> memref<632x128xf32, #tpu.memory_space<vmem_shared>>
      tpu.wait_dma2 semaphore(%run_scoped3A_31 : memref<!tpu.dma_semaphore, #tpu.memory_space<semaphore_mem>>) src(%dma_wait3A_45 : memref<632x128xf32, #tpu.memory_space<vmem_shared>>) dst(%dma_wait3A_43 : memref<632x128xf32, #tpu.memory_space<hbm>>)
      tpu.yield
    }) : () -> ()
    return
  }
}

#map = affine_map<(d0, d1) -> (0, 0, 0)>
#map1 = affine_map<(d0, d1) -> (0, 0)>
module attributes {stable_mosaic.version = 14 : i64} {
  func.func @body(%arg0: i32, %arg1: i32, %arg2: memref<2x2580x128xi32, #tpu.memory_space<hbm>>, %arg3: memref<632x16xf32, #tpu.memory_space<hbm>>, %arg4: memref<128x16xf32, #tpu.memory_space<hbm>>, %arg5: memref<2x10112x16xf32, #tpu.memory_space<hbm>>, %arg6: memref<80x128xi32, #tpu.memory_space<vmem>>, %arg7: memref<128x16xf32, #tpu.memory_space<vmem>>, %arg8: memref<10112x16xf32, #tpu.memory_space<vmem_shared>>) attributes {dimension_semantics = [#tpu.dimension_semantics<core_parallel>, #tpu.dimension_semantics<subcore_parallel>], iteration_bounds = array<i64: 2, 16>, scalar_prefetch = 0 : i64, scratch_operands = 3 : i64, tpu.core_type = #tpu.core_type<sc_vector_subcore>, window_params = [{transform_indices = #map}, {transform_indices = #map1}, {transform_indices = #map1}, {transform_indices = #map}]} {
    %mul3A = arith.constant 80 : i32
    %mul3A_0 = arith.muli %arg1, %mul3A : i32
    %mul3A_1 = arith.constant 76 : i32
    %mul3A_2 = arith.muli %arg1, %mul3A_1 : i32
    %add3A = arith.constant 1280 : i32
    %add3A_3 = arith.addi %add3A, %mul3A_2 : i32
    %min3A = arith.constant 4 : i32
    %min3A_4 = arith.minsi %arg1, %min3A : i32
    %add3A_5 = arith.addi %add3A_3, %min3A_4 : i32
    %eq3A = arith.constant 0 : i32
    %eq3A_6 = arith.cmpi eq, %arg0, %eq3A : i32
    %select_n3A = arith.select %eq3A_6, %mul3A_0, %add3A_5 : i32
    %eq3A_7 = arith.constant 0 : i32
    %eq3A_8 = arith.cmpi eq, %arg0, %eq3A_7 : i32
    %lt3A = arith.constant 4 : i32
    %lt3A_9 = arith.cmpi slt, %arg1, %lt3A : i32
    %jit3A = arith.constant 1 : i32
    %jit3A_10 = arith.constant 0 : i32
    %select_n3A_11 = arith.select %lt3A_9, %jit3A, %jit3A_10 : i32
    %add3A_12 = arith.constant 76 : i32
    %add3A_13 = arith.addi %add3A_12, %select_n3A_11 : i32
    %jit3A_14 = arith.constant 80 : i32
    %select_n3A_15 = arith.select %eq3A_8, %jit3A_14, %add3A_13 : i32
    %mul3A_16 = arith.constant 632 : i32
    %mul3A_17 = arith.muli %arg1, %mul3A_16 : i32
    "tpu.region"() ({
      %run_scoped3A_30 = tpu.sem_alloc : memref<!tpu.dma_semaphore, #tpu.memory_space<semaphore_mem>>
      %dma_start3A = arith.constant 0 : i32
      %dma_start3A_31 = tpu.memref_slice %arg8[%mul3A_17, %dma_start3A] : memref<10112x16xf32, #tpu.memory_space<vmem_shared>> -> memref<632x16xf32, #tpu.memory_space<vmem_shared>>
      tpu.enqueue_dma source(%arg3 : memref<632x16xf32, #tpu.memory_space<hbm>>) target(%dma_start3A_31 : memref<632x16xf32, #tpu.memory_space<vmem_shared>>) target_semaphore(%run_scoped3A_30 : memref<!tpu.dma_semaphore, #tpu.memory_space<semaphore_mem>>)
      %dma_wait3A = arith.constant 0 : i32
      %dma_wait3A_32 = tpu.memref_slice %arg8[%mul3A_17, %dma_wait3A] : memref<10112x16xf32, #tpu.memory_space<vmem_shared>> -> memref<632x16xf32, #tpu.memory_space<vmem_shared>>
      tpu.wait_dma2 semaphore(%run_scoped3A_30 : memref<!tpu.dma_semaphore, #tpu.memory_space<semaphore_mem>>) src(%arg3 : memref<632x16xf32, #tpu.memory_space<hbm>>) dst(%dma_wait3A_32 : memref<632x16xf32, #tpu.memory_space<vmem_shared>>)
      tpu.yield
    }) : () -> ()
    "tpu.region"() ({
      %run_scoped3A_30 = tpu.sem_alloc : memref<!tpu.dma_semaphore, #tpu.memory_space<semaphore_mem>>
      tpu.enqueue_dma source(%arg4 : memref<128x16xf32, #tpu.memory_space<hbm>>) target(%arg7 : memref<128x16xf32, #tpu.memory_space<vmem>>) target_semaphore(%run_scoped3A_30 : memref<!tpu.dma_semaphore, #tpu.memory_space<semaphore_mem>>)
      tpu.wait_dma2 semaphore(%run_scoped3A_30 : memref<!tpu.dma_semaphore, #tpu.memory_space<semaphore_mem>>) src(%arg4 : memref<128x16xf32, #tpu.memory_space<hbm>>) dst(%arg7 : memref<128x16xf32, #tpu.memory_space<vmem>>)
      tpu.yield
    }) : () -> ()
    %run_scoped3A = arith.constant 1 : i32
    "tpu.region"() ({
      %run_scoped3A_30 = tpu.sem_alloc : memref<!tpu.dma_semaphore, #tpu.memory_space<semaphore_mem>>
      %dma_start3A = arith.constant 0 : i32
      %dma_start3A_31 = arith.constant 0 : i32
      %dma_start3A_32 = tpu.memref_slice %arg2[%run_scoped3A, %dma_start3A, %dma_start3A_31] : memref<2x2580x128xi32, #tpu.memory_space<hbm>> -> memref<1x2580x128xi32, #tpu.memory_space<hbm>>
      %dma_start3A_33 = tpu.memref_squeeze %dma_start3A_32 : memref<1x2580x128xi32, #tpu.memory_space<hbm>> -> memref<2580x128xi32, #tpu.memory_space<hbm>>
      %dma_start3A_34 = arith.constant 0 : i32
      %dma_start3A_35 = tpu.memref_slice %dma_start3A_33[%select_n3A, %dma_start3A_34] : memref<2580x128xi32, #tpu.memory_space<hbm>> -> memref<80x128xi32, #tpu.memory_space<hbm>>
      %dma_start3A_36 = arith.constant 0 : i32
      %dma_start3A_37 = arith.constant 0 : i32
      %dma_start3A_38 = tpu.memref_slice %arg2[%run_scoped3A, %dma_start3A_36, %dma_start3A_37] : memref<2x2580x128xi32, #tpu.memory_space<hbm>> -> memref<1x2580x128xi32, #tpu.memory_space<hbm>>
      %dma_start3A_39 = tpu.memref_squeeze %dma_start3A_38 : memref<1x2580x128xi32, #tpu.memory_space<hbm>> -> memref<2580x128xi32, #tpu.memory_space<hbm>>
      %dma_start3A_40 = arith.constant 0 : i32
      %dma_start3A_41 = tpu.memref_slice %dma_start3A_39[%select_n3A, %dma_start3A_40] : memref<2580x128xi32, #tpu.memory_space<hbm>> -> memref<80x128xi32, #tpu.memory_space<hbm>>
      tpu.enqueue_dma source(%dma_start3A_41 : memref<80x128xi32, #tpu.memory_space<hbm>>) target(%arg6 : memref<80x128xi32, #tpu.memory_space<vmem>>) target_semaphore(%run_scoped3A_30 : memref<!tpu.dma_semaphore, #tpu.memory_space<semaphore_mem>>)
      %dma_wait3A = arith.constant 0 : i32
      %dma_wait3A_42 = arith.constant 0 : i32
      %dma_wait3A_43 = tpu.memref_slice %arg2[%run_scoped3A, %dma_wait3A, %dma_wait3A_42] : memref<2x2580x128xi32, #tpu.memory_space<hbm>> -> memref<1x2580x128xi32, #tpu.memory_space<hbm>>
      %dma_wait3A_44 = tpu.memref_squeeze %dma_wait3A_43 : memref<1x2580x128xi32, #tpu.memory_space<hbm>> -> memref<2580x128xi32, #tpu.memory_space<hbm>>
      %dma_wait3A_45 = arith.constant 0 : i32
      %dma_wait3A_46 = tpu.memref_slice %dma_wait3A_44[%select_n3A, %dma_wait3A_45] : memref<2580x128xi32, #tpu.memory_space<hbm>> -> memref<80x128xi32, #tpu.memory_space<hbm>>
      %dma_wait3A_47 = arith.constant 0 : i32
      %dma_wait3A_48 = arith.constant 0 : i32
      %dma_wait3A_49 = tpu.memref_slice %arg2[%run_scoped3A, %dma_wait3A_47, %dma_wait3A_48] : memref<2x2580x128xi32, #tpu.memory_space<hbm>> -> memref<1x2580x128xi32, #tpu.memory_space<hbm>>
      %dma_wait3A_50 = tpu.memref_squeeze %dma_wait3A_49 : memref<1x2580x128xi32, #tpu.memory_space<hbm>> -> memref<2580x128xi32, #tpu.memory_space<hbm>>
      %dma_wait3A_51 = arith.constant 0 : i32
      %dma_wait3A_52 = tpu.memref_slice %dma_wait3A_50[%select_n3A, %dma_wait3A_51] : memref<2580x128xi32, #tpu.memory_space<hbm>> -> memref<80x128xi32, #tpu.memory_space<hbm>>
      tpu.wait_dma2 semaphore(%run_scoped3A_30 : memref<!tpu.dma_semaphore, #tpu.memory_space<semaphore_mem>>) src(%dma_wait3A_52 : memref<80x128xi32, #tpu.memory_space<hbm>>) dst(%arg6 : memref<80x128xi32, #tpu.memory_space<vmem>>)
      tpu.yield
    }) : () -> ()
    %barrier3A = arith.constant 0 : index
    tpu.barrier barrier_id(%barrier3A)
    %while3A = arith.constant 0 : i32
    %while3A_18 = arith.constant 0 : i32
    %while3A_19 = arith.subi %select_n3A_15, %while3A_18 : i32
    %while3A_20 = arith.addi %while3A_18, %while3A_19 : i32
    %while3A_21 = arith.constant 1 : i32
    %while3A_22 = arith.divsi %while3A_19, %while3A_21 : i32
    %while3A_23 = arith.muli %while3A_22, %while3A_21 : i32
    %while3A_24 = arith.addi %while3A_18, %while3A_23 : i32
    %while3A_25 = arith.constant 1 : i32
    scf.for %while3A_30 = %while3A_18 to %while3A_24 step %while3A_25  : i32 {
      "tpu.region"() ({
        %run_scoped3A_31 = tpu.sem_alloc : memref<!tpu.dma_semaphore, #tpu.memory_space<semaphore_mem>>
        %dma_start3A = arith.constant 0 : i32
        %dma_start3A_32 = tpu.memref_slice %arg6[%while3A_30, %dma_start3A] : memref<80x128xi32, #tpu.memory_space<vmem>> -> memref<1x128xi32, #tpu.memory_space<vmem>>
        %dma_start3A_33 = tpu.memref_squeeze %dma_start3A_32 : memref<1x128xi32, #tpu.memory_space<vmem>> -> memref<128xi32, #tpu.memory_space<vmem>>
        %dma_start3A_34 = arith.constant 0 : i32
        %dma_start3A_35 = arith.constant 0 : i32
        %dma_start3A_36 = tpu.memref_slice %arg8[%dma_start3A_34, %dma_start3A_35] : memref<10112x16xf32, #tpu.memory_space<vmem_shared>> -> memref<10112x16xf32, #tpu.memory_space<vmem_shared>>
        tpu.enqueue_indirect_dma source(%arg7 : memref<128x16xf32, #tpu.memory_space<vmem>>) target(%dma_start3A_36 : memref<10112x16xf32, #tpu.memory_space<vmem_shared>>) offsets(%dma_start3A_33 : memref<128xi32, #tpu.memory_space<vmem>>) semaphore(%run_scoped3A_31 : memref<!tpu.dma_semaphore, #tpu.memory_space<semaphore_mem>>) {add = true}
        %dma_wait3A = arith.constant 0 : i32
        %dma_wait3A_37 = tpu.memref_slice %arg6[%while3A_30, %dma_wait3A] : memref<80x128xi32, #tpu.memory_space<vmem>> -> memref<1x128xi32, #tpu.memory_space<vmem>>
        %dma_wait3A_38 = tpu.memref_squeeze %dma_wait3A_37 : memref<1x128xi32, #tpu.memory_space<vmem>> -> memref<128xi32, #tpu.memory_space<vmem>>
        %dma_wait3A_39 = arith.constant 0 : i32
        %dma_wait3A_40 = arith.constant 0 : i32
        %dma_wait3A_41 = tpu.memref_slice %arg8[%dma_wait3A_39, %dma_wait3A_40] : memref<10112x16xf32, #tpu.memory_space<vmem_shared>> -> memref<10112x16xf32, #tpu.memory_space<vmem_shared>>
        tpu.wait_indirect_dma semaphore(%run_scoped3A_31 : memref<!tpu.dma_semaphore, #tpu.memory_space<semaphore_mem>>) src(%arg7 : memref<128x16xf32, #tpu.memory_space<vmem>>) dst(%dma_wait3A_41 : memref<10112x16xf32, #tpu.memory_space<vmem_shared>>)
        tpu.yield
      }) : () -> ()
    }
    %while3A_26 = arith.constant 1 : i32
    scf.for %while3A_30 = %while3A_24 to %while3A_20 step %while3A_26  : i32 {
      "tpu.region"() ({
        %run_scoped3A_31 = tpu.sem_alloc : memref<!tpu.dma_semaphore, #tpu.memory_space<semaphore_mem>>
        %dma_start3A = arith.constant 0 : i32
        %dma_start3A_32 = tpu.memref_slice %arg6[%while3A_30, %dma_start3A] : memref<80x128xi32, #tpu.memory_space<vmem>> -> memref<1x128xi32, #tpu.memory_space<vmem>>
        %dma_start3A_33 = tpu.memref_squeeze %dma_start3A_32 : memref<1x128xi32, #tpu.memory_space<vmem>> -> memref<128xi32, #tpu.memory_space<vmem>>
        %dma_start3A_34 = arith.constant 0 : i32
        %dma_start3A_35 = arith.constant 0 : i32
        %dma_start3A_36 = tpu.memref_slice %arg8[%dma_start3A_34, %dma_start3A_35] : memref<10112x16xf32, #tpu.memory_space<vmem_shared>> -> memref<10112x16xf32, #tpu.memory_space<vmem_shared>>
        tpu.enqueue_indirect_dma source(%arg7 : memref<128x16xf32, #tpu.memory_space<vmem>>) target(%dma_start3A_36 : memref<10112x16xf32, #tpu.memory_space<vmem_shared>>) offsets(%dma_start3A_33 : memref<128xi32, #tpu.memory_space<vmem>>) semaphore(%run_scoped3A_31 : memref<!tpu.dma_semaphore, #tpu.memory_space<semaphore_mem>>) {add = true}
        %dma_wait3A = arith.constant 0 : i32
        %dma_wait3A_37 = tpu.memref_slice %arg6[%while3A_30, %dma_wait3A] : memref<80x128xi32, #tpu.memory_space<vmem>> -> memref<1x128xi32, #tpu.memory_space<vmem>>
        %dma_wait3A_38 = tpu.memref_squeeze %dma_wait3A_37 : memref<1x128xi32, #tpu.memory_space<vmem>> -> memref<128xi32, #tpu.memory_space<vmem>>
        %dma_wait3A_39 = arith.constant 0 : i32
        %dma_wait3A_40 = arith.constant 0 : i32
        %dma_wait3A_41 = tpu.memref_slice %arg8[%dma_wait3A_39, %dma_wait3A_40] : memref<10112x16xf32, #tpu.memory_space<vmem_shared>> -> memref<10112x16xf32, #tpu.memory_space<vmem_shared>>
        tpu.wait_indirect_dma semaphore(%run_scoped3A_31 : memref<!tpu.dma_semaphore, #tpu.memory_space<semaphore_mem>>) src(%arg7 : memref<128x16xf32, #tpu.memory_space<vmem>>) dst(%dma_wait3A_41 : memref<10112x16xf32, #tpu.memory_space<vmem_shared>>)
        tpu.yield
      }) : () -> ()
    }
    %barrier3A_27 = arith.constant 0 : index
    tpu.barrier barrier_id(%barrier3A_27)
    %mul3A_28 = arith.constant 632 : i32
    %mul3A_29 = arith.muli %arg1, %mul3A_28 : i32
    "tpu.region"() ({
      %run_scoped3A_30 = tpu.sem_alloc : memref<!tpu.dma_semaphore, #tpu.memory_space<semaphore_mem>>
      %dma_start3A = arith.constant 0 : i32
      %dma_start3A_31 = arith.constant 0 : i32
      %dma_start3A_32 = tpu.memref_slice %arg5[%arg0, %dma_start3A, %dma_start3A_31] : memref<2x10112x16xf32, #tpu.memory_space<hbm>> -> memref<1x10112x16xf32, #tpu.memory_space<hbm>>
      %dma_start3A_33 = tpu.memref_squeeze %dma_start3A_32 : memref<1x10112x16xf32, #tpu.memory_space<hbm>> -> memref<10112x16xf32, #tpu.memory_space<hbm>>
      %dma_start3A_34 = arith.constant 0 : i32
      %dma_start3A_35 = tpu.memref_slice %dma_start3A_33[%mul3A_29, %dma_start3A_34] : memref<10112x16xf32, #tpu.memory_space<hbm>> -> memref<632x16xf32, #tpu.memory_space<hbm>>
      %dma_start3A_36 = arith.constant 0 : i32
      %dma_start3A_37 = tpu.memref_slice %arg8[%mul3A_29, %dma_start3A_36] : memref<10112x16xf32, #tpu.memory_space<vmem_shared>> -> memref<632x16xf32, #tpu.memory_space<vmem_shared>>
      tpu.enqueue_dma source(%dma_start3A_37 : memref<632x16xf32, #tpu.memory_space<vmem_shared>>) target(%dma_start3A_35 : memref<632x16xf32, #tpu.memory_space<hbm>>) target_semaphore(%run_scoped3A_30 : memref<!tpu.dma_semaphore, #tpu.memory_space<semaphore_mem>>)
      %dma_wait3A = arith.constant 0 : i32
      %dma_wait3A_38 = arith.constant 0 : i32
      %dma_wait3A_39 = tpu.memref_slice %arg5[%arg0, %dma_wait3A, %dma_wait3A_38] : memref<2x10112x16xf32, #tpu.memory_space<hbm>> -> memref<1x10112x16xf32, #tpu.memory_space<hbm>>
      %dma_wait3A_40 = tpu.memref_squeeze %dma_wait3A_39 : memref<1x10112x16xf32, #tpu.memory_space<hbm>> -> memref<10112x16xf32, #tpu.memory_space<hbm>>
      %dma_wait3A_41 = arith.constant 0 : i32
      %dma_wait3A_42 = tpu.memref_slice %dma_wait3A_40[%mul3A_29, %dma_wait3A_41] : memref<10112x16xf32, #tpu.memory_space<hbm>> -> memref<632x16xf32, #tpu.memory_space<hbm>>
      %dma_wait3A_43 = arith.constant 0 : i32
      %dma_wait3A_44 = tpu.memref_slice %arg8[%mul3A_29, %dma_wait3A_43] : memref<10112x16xf32, #tpu.memory_space<vmem_shared>> -> memref<632x16xf32, #tpu.memory_space<vmem_shared>>
      tpu.wait_dma2 semaphore(%run_scoped3A_30 : memref<!tpu.dma_semaphore, #tpu.memory_space<semaphore_mem>>) src(%dma_wait3A_44 : memref<632x16xf32, #tpu.memory_space<vmem_shared>>) dst(%dma_wait3A_42 : memref<632x16xf32, #tpu.memory_space<hbm>>)
      tpu.yield
    }) : () -> ()
    return
  }
}

#map = affine_map<(d0, d1) -> (0, 0)>
#map1 = affine_map<(d0, d1) -> (0, 0, 0)>
module attributes {stable_mosaic.version = 14 : i64} {
  func.func @body(%arg0: i32, %arg1: i32, %arg2: memref<10000x48xf32, #tpu.memory_space<hbm>>, %arg3: memref<2x2580x128xi32, #tpu.memory_space<hbm>>, %arg4: memref<632x48xf32, #tpu.memory_space<hbm>>, %arg5: memref<2x10112x48xf32, #tpu.memory_space<hbm>>, %arg6: memref<80x128xi32, #tpu.memory_space<vmem>>, %arg7: memref<80x128xi32, #tpu.memory_space<vmem>>, %arg8: memref<128x48xf32, #tpu.memory_space<vmem>>, %arg9: memref<10112x48xf32, #tpu.memory_space<vmem_shared>>, %arg10: memref<!tpu.dma_semaphore, #tpu.memory_space<semaphore_mem>>) attributes {dimension_semantics = [#tpu.dimension_semantics<core_parallel>, #tpu.dimension_semantics<subcore_parallel>], iteration_bounds = array<i64: 2, 16>, scalar_prefetch = 0 : i64, scratch_operands = 5 : i64, tpu.core_type = #tpu.core_type<sc_vector_subcore>, window_params = [{transform_indices = #map}, {transform_indices = #map1}, {transform_indices = #map}, {transform_indices = #map1}]} {
    %mul3A = arith.constant 80 : i32
    %mul3A_0 = arith.muli %arg1, %mul3A : i32
    %mul3A_1 = arith.constant 76 : i32
    %mul3A_2 = arith.muli %arg1, %mul3A_1 : i32
    %add3A = arith.constant 1280 : i32
    %add3A_3 = arith.addi %add3A, %mul3A_2 : i32
    %min3A = arith.constant 4 : i32
    %min3A_4 = arith.minsi %arg1, %min3A : i32
    %add3A_5 = arith.addi %add3A_3, %min3A_4 : i32
    %eq3A = arith.constant 0 : i32
    %eq3A_6 = arith.cmpi eq, %arg0, %eq3A : i32
    %select_n3A = arith.select %eq3A_6, %mul3A_0, %add3A_5 : i32
    %eq3A_7 = arith.constant 0 : i32
    %eq3A_8 = arith.cmpi eq, %arg0, %eq3A_7 : i32
    %lt3A = arith.constant 4 : i32
    %lt3A_9 = arith.cmpi slt, %arg1, %lt3A : i32
    %jit3A = arith.constant 1 : i32
    %jit3A_10 = arith.constant 0 : i32
    %select_n3A_11 = arith.select %lt3A_9, %jit3A, %jit3A_10 : i32
    %add3A_12 = arith.constant 76 : i32
    %add3A_13 = arith.addi %add3A_12, %select_n3A_11 : i32
    %jit3A_14 = arith.constant 80 : i32
    %select_n3A_15 = arith.select %eq3A_8, %jit3A_14, %add3A_13 : i32
    %mul3A_16 = arith.constant 632 : i32
    %mul3A_17 = arith.muli %arg1, %mul3A_16 : i32
    "tpu.region"() ({
      %run_scoped3A_31 = tpu.sem_alloc : memref<!tpu.dma_semaphore, #tpu.memory_space<semaphore_mem>>
      %dma_start3A = arith.constant 0 : i32
      %dma_start3A_32 = tpu.memref_slice %arg9[%mul3A_17, %dma_start3A] : memref<10112x48xf32, #tpu.memory_space<vmem_shared>> -> memref<632x48xf32, #tpu.memory_space<vmem_shared>>
      tpu.enqueue_dma source(%arg4 : memref<632x48xf32, #tpu.memory_space<hbm>>) target(%dma_start3A_32 : memref<632x48xf32, #tpu.memory_space<vmem_shared>>) target_semaphore(%run_scoped3A_31 : memref<!tpu.dma_semaphore, #tpu.memory_space<semaphore_mem>>)
      %dma_wait3A = arith.constant 0 : i32
      %dma_wait3A_33 = tpu.memref_slice %arg9[%mul3A_17, %dma_wait3A] : memref<10112x48xf32, #tpu.memory_space<vmem_shared>> -> memref<632x48xf32, #tpu.memory_space<vmem_shared>>
      tpu.wait_dma2 semaphore(%run_scoped3A_31 : memref<!tpu.dma_semaphore, #tpu.memory_space<semaphore_mem>>) src(%arg4 : memref<632x48xf32, #tpu.memory_space<hbm>>) dst(%dma_wait3A_33 : memref<632x48xf32, #tpu.memory_space<vmem_shared>>)
      tpu.yield
    }) : () -> ()
    %run_scoped3A = arith.constant 0 : i32
    "tpu.region"() ({
      %run_scoped3A_31 = tpu.sem_alloc : memref<!tpu.dma_semaphore, #tpu.memory_space<semaphore_mem>>
      %dma_start3A = arith.constant 0 : i32
      %dma_start3A_32 = arith.constant 0 : i32
      %dma_start3A_33 = tpu.memref_slice %arg3[%run_scoped3A, %dma_start3A, %dma_start3A_32] : memref<2x2580x128xi32, #tpu.memory_space<hbm>> -> memref<1x2580x128xi32, #tpu.memory_space<hbm>>
      %dma_start3A_34 = tpu.memref_squeeze %dma_start3A_33 : memref<1x2580x128xi32, #tpu.memory_space<hbm>> -> memref<2580x128xi32, #tpu.memory_space<hbm>>
      %dma_start3A_35 = arith.constant 0 : i32
      %dma_start3A_36 = tpu.memref_slice %dma_start3A_34[%select_n3A, %dma_start3A_35] : memref<2580x128xi32, #tpu.memory_space<hbm>> -> memref<80x128xi32, #tpu.memory_space<hbm>>
      %dma_start3A_37 = arith.constant 0 : i32
      %dma_start3A_38 = arith.constant 0 : i32
      %dma_start3A_39 = tpu.memref_slice %arg3[%run_scoped3A, %dma_start3A_37, %dma_start3A_38] : memref<2x2580x128xi32, #tpu.memory_space<hbm>> -> memref<1x2580x128xi32, #tpu.memory_space<hbm>>
      %dma_start3A_40 = tpu.memref_squeeze %dma_start3A_39 : memref<1x2580x128xi32, #tpu.memory_space<hbm>> -> memref<2580x128xi32, #tpu.memory_space<hbm>>
      %dma_start3A_41 = arith.constant 0 : i32
      %dma_start3A_42 = tpu.memref_slice %dma_start3A_40[%select_n3A, %dma_start3A_41] : memref<2580x128xi32, #tpu.memory_space<hbm>> -> memref<80x128xi32, #tpu.memory_space<hbm>>
      tpu.enqueue_dma source(%dma_start3A_42 : memref<80x128xi32, #tpu.memory_space<hbm>>) target(%arg6 : memref<80x128xi32, #tpu.memory_space<vmem>>) target_semaphore(%run_scoped3A_31 : memref<!tpu.dma_semaphore, #tpu.memory_space<semaphore_mem>>)
      %dma_wait3A = arith.constant 0 : i32
      %dma_wait3A_43 = arith.constant 0 : i32
      %dma_wait3A_44 = tpu.memref_slice %arg3[%run_scoped3A, %dma_wait3A, %dma_wait3A_43] : memref<2x2580x128xi32, #tpu.memory_space<hbm>> -> memref<1x2580x128xi32, #tpu.memory_space<hbm>>
      %dma_wait3A_45 = tpu.memref_squeeze %dma_wait3A_44 : memref<1x2580x128xi32, #tpu.memory_space<hbm>> -> memref<2580x128xi32, #tpu.memory_space<hbm>>
      %dma_wait3A_46 = arith.constant 0 : i32
      %dma_wait3A_47 = tpu.memref_slice %dma_wait3A_45[%select_n3A, %dma_wait3A_46] : memref<2580x128xi32, #tpu.memory_space<hbm>> -> memref<80x128xi32, #tpu.memory_space<hbm>>
      %dma_wait3A_48 = arith.constant 0 : i32
      %dma_wait3A_49 = arith.constant 0 : i32
      %dma_wait3A_50 = tpu.memref_slice %arg3[%run_scoped3A, %dma_wait3A_48, %dma_wait3A_49] : memref<2x2580x128xi32, #tpu.memory_space<hbm>> -> memref<1x2580x128xi32, #tpu.memory_space<hbm>>
      %dma_wait3A_51 = tpu.memref_squeeze %dma_wait3A_50 : memref<1x2580x128xi32, #tpu.memory_space<hbm>> -> memref<2580x128xi32, #tpu.memory_space<hbm>>
      %dma_wait3A_52 = arith.constant 0 : i32
      %dma_wait3A_53 = tpu.memref_slice %dma_wait3A_51[%select_n3A, %dma_wait3A_52] : memref<2580x128xi32, #tpu.memory_space<hbm>> -> memref<80x128xi32, #tpu.memory_space<hbm>>
      tpu.wait_dma2 semaphore(%run_scoped3A_31 : memref<!tpu.dma_semaphore, #tpu.memory_space<semaphore_mem>>) src(%dma_wait3A_53 : memref<80x128xi32, #tpu.memory_space<hbm>>) dst(%arg6 : memref<80x128xi32, #tpu.memory_space<vmem>>)
      tpu.yield
    }) : () -> ()
    %run_scoped3A_18 = arith.constant 1 : i32
    "tpu.region"() ({
      %run_scoped3A_31 = tpu.sem_alloc : memref<!tpu.dma_semaphore, #tpu.memory_space<semaphore_mem>>
      %dma_start3A = arith.constant 0 : i32
      %dma_start3A_32 = arith.constant 0 : i32
      %dma_start3A_33 = tpu.memref_slice %arg3[%run_scoped3A_18, %dma_start3A, %dma_start3A_32] : memref<2x2580x128xi32, #tpu.memory_space<hbm>> -> memref<1x2580x128xi32, #tpu.memory_space<hbm>>
      %dma_start3A_34 = tpu.memref_squeeze %dma_start3A_33 : memref<1x2580x128xi32, #tpu.memory_space<hbm>> -> memref<2580x128xi32, #tpu.memory_space<hbm>>
      %dma_start3A_35 = arith.constant 0 : i32
      %dma_start3A_36 = tpu.memref_slice %dma_start3A_34[%select_n3A, %dma_start3A_35] : memref<2580x128xi32, #tpu.memory_space<hbm>> -> memref<80x128xi32, #tpu.memory_space<hbm>>
      %dma_start3A_37 = arith.constant 0 : i32
      %dma_start3A_38 = arith.constant 0 : i32
      %dma_start3A_39 = tpu.memref_slice %arg3[%run_scoped3A_18, %dma_start3A_37, %dma_start3A_38] : memref<2x2580x128xi32, #tpu.memory_space<hbm>> -> memref<1x2580x128xi32, #tpu.memory_space<hbm>>
      %dma_start3A_40 = tpu.memref_squeeze %dma_start3A_39 : memref<1x2580x128xi32, #tpu.memory_space<hbm>> -> memref<2580x128xi32, #tpu.memory_space<hbm>>
      %dma_start3A_41 = arith.constant 0 : i32
      %dma_start3A_42 = tpu.memref_slice %dma_start3A_40[%select_n3A, %dma_start3A_41] : memref<2580x128xi32, #tpu.memory_space<hbm>> -> memref<80x128xi32, #tpu.memory_space<hbm>>
      tpu.enqueue_dma source(%dma_start3A_42 : memref<80x128xi32, #tpu.memory_space<hbm>>) target(%arg7 : memref<80x128xi32, #tpu.memory_space<vmem>>) target_semaphore(%run_scoped3A_31 : memref<!tpu.dma_semaphore, #tpu.memory_space<semaphore_mem>>)
      %dma_wait3A = arith.constant 0 : i32
      %dma_wait3A_43 = arith.constant 0 : i32
      %dma_wait3A_44 = tpu.memref_slice %arg3[%run_scoped3A_18, %dma_wait3A, %dma_wait3A_43] : memref<2x2580x128xi32, #tpu.memory_space<hbm>> -> memref<1x2580x128xi32, #tpu.memory_space<hbm>>
      %dma_wait3A_45 = tpu.memref_squeeze %dma_wait3A_44 : memref<1x2580x128xi32, #tpu.memory_space<hbm>> -> memref<2580x128xi32, #tpu.memory_space<hbm>>
      %dma_wait3A_46 = arith.constant 0 : i32
      %dma_wait3A_47 = tpu.memref_slice %dma_wait3A_45[%select_n3A, %dma_wait3A_46] : memref<2580x128xi32, #tpu.memory_space<hbm>> -> memref<80x128xi32, #tpu.memory_space<hbm>>
      %dma_wait3A_48 = arith.constant 0 : i32
      %dma_wait3A_49 = arith.constant 0 : i32
      %dma_wait3A_50 = tpu.memref_slice %arg3[%run_scoped3A_18, %dma_wait3A_48, %dma_wait3A_49] : memref<2x2580x128xi32, #tpu.memory_space<hbm>> -> memref<1x2580x128xi32, #tpu.memory_space<hbm>>
      %dma_wait3A_51 = tpu.memref_squeeze %dma_wait3A_50 : memref<1x2580x128xi32, #tpu.memory_space<hbm>> -> memref<2580x128xi32, #tpu.memory_space<hbm>>
      %dma_wait3A_52 = arith.constant 0 : i32
      %dma_wait3A_53 = tpu.memref_slice %dma_wait3A_51[%select_n3A, %dma_wait3A_52] : memref<2580x128xi32, #tpu.memory_space<hbm>> -> memref<80x128xi32, #tpu.memory_space<hbm>>
      tpu.wait_dma2 semaphore(%run_scoped3A_31 : memref<!tpu.dma_semaphore, #tpu.memory_space<semaphore_mem>>) src(%dma_wait3A_53 : memref<80x128xi32, #tpu.memory_space<hbm>>) dst(%arg7 : memref<80x128xi32, #tpu.memory_space<vmem>>)
      tpu.yield
    }) : () -> ()
    %barrier3A = arith.constant 0 : index
    tpu.barrier barrier_id(%barrier3A)
    %while3A = arith.constant 0 : i32
    %while3A_19 = arith.constant 0 : i32
    %while3A_20 = arith.subi %select_n3A_15, %while3A_19 : i32
    %while3A_21 = arith.addi %while3A_19, %while3A_20 : i32
    %while3A_22 = arith.constant 1 : i32
    %while3A_23 = arith.divsi %while3A_20, %while3A_22 : i32
    %while3A_24 = arith.muli %while3A_23, %while3A_22 : i32
    %while3A_25 = arith.addi %while3A_19, %while3A_24 : i32
    %while3A_26 = arith.constant 1 : i32
    scf.for %while3A_31 = %while3A_19 to %while3A_25 step %while3A_26  : i32 {
      %dma_start3A = arith.constant 0 : i32
      %dma_start3A_32 = tpu.memref_slice %arg6[%while3A_31, %dma_start3A] : memref<80x128xi32, #tpu.memory_space<vmem>> -> memref<1x128xi32, #tpu.memory_space<vmem>>
      %dma_start3A_33 = tpu.memref_squeeze %dma_start3A_32 : memref<1x128xi32, #tpu.memory_space<vmem>> -> memref<128xi32, #tpu.memory_space<vmem>>
      %dma_start3A_34 = arith.constant 0 : i32
      %dma_start3A_35 = arith.constant 0 : i32
      %dma_start3A_36 = tpu.memref_slice %arg2[%dma_start3A_34, %dma_start3A_35] : memref<10000x48xf32, #tpu.memory_space<hbm>> -> memref<10000x48xf32, #tpu.memory_space<hbm>>
      tpu.enqueue_indirect_dma source(%dma_start3A_36 : memref<10000x48xf32, #tpu.memory_space<hbm>>) target(%arg8 : memref<128x48xf32, #tpu.memory_space<vmem>>) offsets(%dma_start3A_33 : memref<128xi32, #tpu.memory_space<vmem>>) semaphore(%arg10 : memref<!tpu.dma_semaphore, #tpu.memory_space<semaphore_mem>>)
      %dma_wait3A = arith.constant 0 : i32
      %dma_wait3A_37 = tpu.memref_slice %arg6[%while3A_31, %dma_wait3A] : memref<80x128xi32, #tpu.memory_space<vmem>> -> memref<1x128xi32, #tpu.memory_space<vmem>>
      %dma_wait3A_38 = tpu.memref_squeeze %dma_wait3A_37 : memref<1x128xi32, #tpu.memory_space<vmem>> -> memref<128xi32, #tpu.memory_space<vmem>>
      %dma_wait3A_39 = arith.constant 0 : i32
      %dma_wait3A_40 = arith.constant 0 : i32
      %dma_wait3A_41 = tpu.memref_slice %arg2[%dma_wait3A_39, %dma_wait3A_40] : memref<10000x48xf32, #tpu.memory_space<hbm>> -> memref<10000x48xf32, #tpu.memory_space<hbm>>
      tpu.wait_indirect_dma semaphore(%arg10 : memref<!tpu.dma_semaphore, #tpu.memory_space<semaphore_mem>>) src(%dma_wait3A_41 : memref<10000x48xf32, #tpu.memory_space<hbm>>) dst(%arg8 : memref<128x48xf32, #tpu.memory_space<vmem>>)
      "tpu.region"() ({
        %run_scoped3A_42 = tpu.sem_alloc : memref<!tpu.dma_semaphore, #tpu.memory_space<semaphore_mem>>
        %dma_start3A_43 = arith.constant 0 : i32
        %dma_start3A_44 = tpu.memref_slice %arg7[%while3A_31, %dma_start3A_43] : memref<80x128xi32, #tpu.memory_space<vmem>> -> memref<1x128xi32, #tpu.memory_space<vmem>>
        %dma_start3A_45 = tpu.memref_squeeze %dma_start3A_44 : memref<1x128xi32, #tpu.memory_space<vmem>> -> memref<128xi32, #tpu.memory_space<vmem>>
        %dma_start3A_46 = arith.constant 0 : i32
        %dma_start3A_47 = arith.constant 0 : i32
        %dma_start3A_48 = tpu.memref_slice %arg9[%dma_start3A_46, %dma_start3A_47] : memref<10112x48xf32, #tpu.memory_space<vmem_shared>> -> memref<10112x48xf32, #tpu.memory_space<vmem_shared>>
        tpu.enqueue_indirect_dma source(%arg8 : memref<128x48xf32, #tpu.memory_space<vmem>>) target(%dma_start3A_48 : memref<10112x48xf32, #tpu.memory_space<vmem_shared>>) offsets(%dma_start3A_45 : memref<128xi32, #tpu.memory_space<vmem>>) semaphore(%run_scoped3A_42 : memref<!tpu.dma_semaphore, #tpu.memory_space<semaphore_mem>>) {add = true}
        %dma_wait3A_49 = arith.constant 0 : i32
        %dma_wait3A_50 = tpu.memref_slice %arg7[%while3A_31, %dma_wait3A_49] : memref<80x128xi32, #tpu.memory_space<vmem>> -> memref<1x128xi32, #tpu.memory_space<vmem>>
        %dma_wait3A_51 = tpu.memref_squeeze %dma_wait3A_50 : memref<1x128xi32, #tpu.memory_space<vmem>> -> memref<128xi32, #tpu.memory_space<vmem>>
        %dma_wait3A_52 = arith.constant 0 : i32
        %dma_wait3A_53 = arith.constant 0 : i32
        %dma_wait3A_54 = tpu.memref_slice %arg9[%dma_wait3A_52, %dma_wait3A_53] : memref<10112x48xf32, #tpu.memory_space<vmem_shared>> -> memref<10112x48xf32, #tpu.memory_space<vmem_shared>>
        tpu.wait_indirect_dma semaphore(%run_scoped3A_42 : memref<!tpu.dma_semaphore, #tpu.memory_space<semaphore_mem>>) src(%arg8 : memref<128x48xf32, #tpu.memory_space<vmem>>) dst(%dma_wait3A_54 : memref<10112x48xf32, #tpu.memory_space<vmem_shared>>)
        tpu.yield
      }) : () -> ()
    }
    %while3A_27 = arith.constant 1 : i32
    scf.for %while3A_31 = %while3A_25 to %while3A_21 step %while3A_27  : i32 {
      %dma_start3A = arith.constant 0 : i32
      %dma_start3A_32 = tpu.memref_slice %arg6[%while3A_31, %dma_start3A] : memref<80x128xi32, #tpu.memory_space<vmem>> -> memref<1x128xi32, #tpu.memory_space<vmem>>
      %dma_start3A_33 = tpu.memref_squeeze %dma_start3A_32 : memref<1x128xi32, #tpu.memory_space<vmem>> -> memref<128xi32, #tpu.memory_space<vmem>>
      %dma_start3A_34 = arith.constant 0 : i32
      %dma_start3A_35 = arith.constant 0 : i32
      %dma_start3A_36 = tpu.memref_slice %arg2[%dma_start3A_34, %dma_start3A_35] : memref<10000x48xf32, #tpu.memory_space<hbm>> -> memref<10000x48xf32, #tpu.memory_space<hbm>>
      tpu.enqueue_indirect_dma source(%dma_start3A_36 : memref<10000x48xf32, #tpu.memory_space<hbm>>) target(%arg8 : memref<128x48xf32, #tpu.memory_space<vmem>>) offsets(%dma_start3A_33 : memref<128xi32, #tpu.memory_space<vmem>>) semaphore(%arg10 : memref<!tpu.dma_semaphore, #tpu.memory_space<semaphore_mem>>)
      %dma_wait3A = arith.constant 0 : i32
      %dma_wait3A_37 = tpu.memref_slice %arg6[%while3A_31, %dma_wait3A] : memref<80x128xi32, #tpu.memory_space<vmem>> -> memref<1x128xi32, #tpu.memory_space<vmem>>
      %dma_wait3A_38 = tpu.memref_squeeze %dma_wait3A_37 : memref<1x128xi32, #tpu.memory_space<vmem>> -> memref<128xi32, #tpu.memory_space<vmem>>
      %dma_wait3A_39 = arith.constant 0 : i32
      %dma_wait3A_40 = arith.constant 0 : i32
      %dma_wait3A_41 = tpu.memref_slice %arg2[%dma_wait3A_39, %dma_wait3A_40] : memref<10000x48xf32, #tpu.memory_space<hbm>> -> memref<10000x48xf32, #tpu.memory_space<hbm>>
      tpu.wait_indirect_dma semaphore(%arg10 : memref<!tpu.dma_semaphore, #tpu.memory_space<semaphore_mem>>) src(%dma_wait3A_41 : memref<10000x48xf32, #tpu.memory_space<hbm>>) dst(%arg8 : memref<128x48xf32, #tpu.memory_space<vmem>>)
      "tpu.region"() ({
        %run_scoped3A_42 = tpu.sem_alloc : memref<!tpu.dma_semaphore, #tpu.memory_space<semaphore_mem>>
        %dma_start3A_43 = arith.constant 0 : i32
        %dma_start3A_44 = tpu.memref_slice %arg7[%while3A_31, %dma_start3A_43] : memref<80x128xi32, #tpu.memory_space<vmem>> -> memref<1x128xi32, #tpu.memory_space<vmem>>
        %dma_start3A_45 = tpu.memref_squeeze %dma_start3A_44 : memref<1x128xi32, #tpu.memory_space<vmem>> -> memref<128xi32, #tpu.memory_space<vmem>>
        %dma_start3A_46 = arith.constant 0 : i32
        %dma_start3A_47 = arith.constant 0 : i32
        %dma_start3A_48 = tpu.memref_slice %arg9[%dma_start3A_46, %dma_start3A_47] : memref<10112x48xf32, #tpu.memory_space<vmem_shared>> -> memref<10112x48xf32, #tpu.memory_space<vmem_shared>>
        tpu.enqueue_indirect_dma source(%arg8 : memref<128x48xf32, #tpu.memory_space<vmem>>) target(%dma_start3A_48 : memref<10112x48xf32, #tpu.memory_space<vmem_shared>>) offsets(%dma_start3A_45 : memref<128xi32, #tpu.memory_space<vmem>>) semaphore(%run_scoped3A_42 : memref<!tpu.dma_semaphore, #tpu.memory_space<semaphore_mem>>) {add = true}
        %dma_wait3A_49 = arith.constant 0 : i32
        %dma_wait3A_50 = tpu.memref_slice %arg7[%while3A_31, %dma_wait3A_49] : memref<80x128xi32, #tpu.memory_space<vmem>> -> memref<1x128xi32, #tpu.memory_space<vmem>>
        %dma_wait3A_51 = tpu.memref_squeeze %dma_wait3A_50 : memref<1x128xi32, #tpu.memory_space<vmem>> -> memref<128xi32, #tpu.memory_space<vmem>>
        %dma_wait3A_52 = arith.constant 0 : i32
        %dma_wait3A_53 = arith.constant 0 : i32
        %dma_wait3A_54 = tpu.memref_slice %arg9[%dma_wait3A_52, %dma_wait3A_53] : memref<10112x48xf32, #tpu.memory_space<vmem_shared>> -> memref<10112x48xf32, #tpu.memory_space<vmem_shared>>
        tpu.wait_indirect_dma semaphore(%run_scoped3A_42 : memref<!tpu.dma_semaphore, #tpu.memory_space<semaphore_mem>>) src(%arg8 : memref<128x48xf32, #tpu.memory_space<vmem>>) dst(%dma_wait3A_54 : memref<10112x48xf32, #tpu.memory_space<vmem_shared>>)
        tpu.yield
      }) : () -> ()
    }
    %barrier3A_28 = arith.constant 0 : index
    tpu.barrier barrier_id(%barrier3A_28)
    %mul3A_29 = arith.constant 632 : i32
    %mul3A_30 = arith.muli %arg1, %mul3A_29 : i32
    "tpu.region"() ({
      %run_scoped3A_31 = tpu.sem_alloc : memref<!tpu.dma_semaphore, #tpu.memory_space<semaphore_mem>>
      %dma_start3A = arith.constant 0 : i32
      %dma_start3A_32 = arith.constant 0 : i32
      %dma_start3A_33 = tpu.memref_slice %arg5[%arg0, %dma_start3A, %dma_start3A_32] : memref<2x10112x48xf32, #tpu.memory_space<hbm>> -> memref<1x10112x48xf32, #tpu.memory_space<hbm>>
      %dma_start3A_34 = tpu.memref_squeeze %dma_start3A_33 : memref<1x10112x48xf32, #tpu.memory_space<hbm>> -> memref<10112x48xf32, #tpu.memory_space<hbm>>
      %dma_start3A_35 = arith.constant 0 : i32
      %dma_start3A_36 = tpu.memref_slice %dma_start3A_34[%mul3A_30, %dma_start3A_35] : memref<10112x48xf32, #tpu.memory_space<hbm>> -> memref<632x48xf32, #tpu.memory_space<hbm>>
      %dma_start3A_37 = arith.constant 0 : i32
      %dma_start3A_38 = tpu.memref_slice %arg9[%mul3A_30, %dma_start3A_37] : memref<10112x48xf32, #tpu.memory_space<vmem_shared>> -> memref<632x48xf32, #tpu.memory_space<vmem_shared>>
      tpu.enqueue_dma source(%dma_start3A_38 : memref<632x48xf32, #tpu.memory_space<vmem_shared>>) target(%dma_start3A_36 : memref<632x48xf32, #tpu.memory_space<hbm>>) target_semaphore(%run_scoped3A_31 : memref<!tpu.dma_semaphore, #tpu.memory_space<semaphore_mem>>)
      %dma_wait3A = arith.constant 0 : i32
      %dma_wait3A_39 = arith.constant 0 : i32
      %dma_wait3A_40 = tpu.memref_slice %arg5[%arg0, %dma_wait3A, %dma_wait3A_39] : memref<2x10112x48xf32, #tpu.memory_space<hbm>> -> memref<1x10112x48xf32, #tpu.memory_space<hbm>>
      %dma_wait3A_41 = tpu.memref_squeeze %dma_wait3A_40 : memref<1x10112x48xf32, #tpu.memory_space<hbm>> -> memref<10112x48xf32, #tpu.memory_space<hbm>>
      %dma_wait3A_42 = arith.constant 0 : i32
      %dma_wait3A_43 = tpu.memref_slice %dma_wait3A_41[%mul3A_30, %dma_wait3A_42] : memref<10112x48xf32, #tpu.memory_space<hbm>> -> memref<632x48xf32, #tpu.memory_space<hbm>>
      %dma_wait3A_44 = arith.constant 0 : i32
      %dma_wait3A_45 = tpu.memref_slice %arg9[%mul3A_30, %dma_wait3A_44] : memref<10112x48xf32, #tpu.memory_space<vmem_shared>> -> memref<632x48xf32, #tpu.memory_space<vmem_shared>>
      tpu.wait_dma2 semaphore(%run_scoped3A_31 : memref<!tpu.dma_semaphore, #tpu.memory_space<semaphore_mem>>) src(%dma_wait3A_45 : memref<632x48xf32, #tpu.memory_space<vmem_shared>>) dst(%dma_wait3A_43 : memref<632x48xf32, #tpu.memory_space<hbm>>)
      tpu.yield
    }) : () -> ()
    return
  }
}

#map = affine_map<(d0, d1) -> (0, 0)>
#map1 = affine_map<(d0, d1) -> (0, 0, 0)>
module attributes {stable_mosaic.version = 14 : i64} {
  func.func @body(%arg0: i32, %arg1: i32, %arg2: memref<10000x128xf32, #tpu.memory_space<hbm>>, %arg3: memref<2x2580x128xi32, #tpu.memory_space<hbm>>, %arg4: memref<632x128xf32, #tpu.memory_space<hbm>>, %arg5: memref<2x10112x128xf32, #tpu.memory_space<hbm>>, %arg6: memref<80x128xi32, #tpu.memory_space<vmem>>, %arg7: memref<80x128xi32, #tpu.memory_space<vmem>>, %arg8: memref<128x128xf32, #tpu.memory_space<vmem>>, %arg9: memref<10112x128xf32, #tpu.memory_space<vmem_shared>>, %arg10: memref<!tpu.dma_semaphore, #tpu.memory_space<semaphore_mem>>) attributes {dimension_semantics = [#tpu.dimension_semantics<core_parallel>, #tpu.dimension_semantics<subcore_parallel>], iteration_bounds = array<i64: 2, 16>, scalar_prefetch = 0 : i64, scratch_operands = 5 : i64, tpu.core_type = #tpu.core_type<sc_vector_subcore>, window_params = [{transform_indices = #map}, {transform_indices = #map1}, {transform_indices = #map}, {transform_indices = #map1}]} {
    %mul3A = arith.constant 80 : i32
    %mul3A_0 = arith.muli %arg1, %mul3A : i32
    %mul3A_1 = arith.constant 76 : i32
    %mul3A_2 = arith.muli %arg1, %mul3A_1 : i32
    %add3A = arith.constant 1280 : i32
    %add3A_3 = arith.addi %add3A, %mul3A_2 : i32
    %min3A = arith.constant 4 : i32
    %min3A_4 = arith.minsi %arg1, %min3A : i32
    %add3A_5 = arith.addi %add3A_3, %min3A_4 : i32
    %eq3A = arith.constant 0 : i32
    %eq3A_6 = arith.cmpi eq, %arg0, %eq3A : i32
    %select_n3A = arith.select %eq3A_6, %mul3A_0, %add3A_5 : i32
    %eq3A_7 = arith.constant 0 : i32
    %eq3A_8 = arith.cmpi eq, %arg0, %eq3A_7 : i32
    %lt3A = arith.constant 4 : i32
    %lt3A_9 = arith.cmpi slt, %arg1, %lt3A : i32
    %jit3A = arith.constant 1 : i32
    %jit3A_10 = arith.constant 0 : i32
    %select_n3A_11 = arith.select %lt3A_9, %jit3A, %jit3A_10 : i32
    %add3A_12 = arith.constant 76 : i32
    %add3A_13 = arith.addi %add3A_12, %select_n3A_11 : i32
    %jit3A_14 = arith.constant 80 : i32
    %select_n3A_15 = arith.select %eq3A_8, %jit3A_14, %add3A_13 : i32
    %mul3A_16 = arith.constant 632 : i32
    %mul3A_17 = arith.muli %arg1, %mul3A_16 : i32
    "tpu.region"() ({
      %run_scoped3A_31 = tpu.sem_alloc : memref<!tpu.dma_semaphore, #tpu.memory_space<semaphore_mem>>
      %dma_start3A = arith.constant 0 : i32
      %dma_start3A_32 = tpu.memref_slice %arg9[%mul3A_17, %dma_start3A] : memref<10112x128xf32, #tpu.memory_space<vmem_shared>> -> memref<632x128xf32, #tpu.memory_space<vmem_shared>>
      tpu.enqueue_dma source(%arg4 : memref<632x128xf32, #tpu.memory_space<hbm>>) target(%dma_start3A_32 : memref<632x128xf32, #tpu.memory_space<vmem_shared>>) target_semaphore(%run_scoped3A_31 : memref<!tpu.dma_semaphore, #tpu.memory_space<semaphore_mem>>)
      %dma_wait3A = arith.constant 0 : i32
      %dma_wait3A_33 = tpu.memref_slice %arg9[%mul3A_17, %dma_wait3A] : memref<10112x128xf32, #tpu.memory_space<vmem_shared>> -> memref<632x128xf32, #tpu.memory_space<vmem_shared>>
      tpu.wait_dma2 semaphore(%run_scoped3A_31 : memref<!tpu.dma_semaphore, #tpu.memory_space<semaphore_mem>>) src(%arg4 : memref<632x128xf32, #tpu.memory_space<hbm>>) dst(%dma_wait3A_33 : memref<632x128xf32, #tpu.memory_space<vmem_shared>>)
      tpu.yield
    }) : () -> ()
    %run_scoped3A = arith.constant 0 : i32
    "tpu.region"() ({
      %run_scoped3A_31 = tpu.sem_alloc : memref<!tpu.dma_semaphore, #tpu.memory_space<semaphore_mem>>
      %dma_start3A = arith.constant 0 : i32
      %dma_start3A_32 = arith.constant 0 : i32
      %dma_start3A_33 = tpu.memref_slice %arg3[%run_scoped3A, %dma_start3A, %dma_start3A_32] : memref<2x2580x128xi32, #tpu.memory_space<hbm>> -> memref<1x2580x128xi32, #tpu.memory_space<hbm>>
      %dma_start3A_34 = tpu.memref_squeeze %dma_start3A_33 : memref<1x2580x128xi32, #tpu.memory_space<hbm>> -> memref<2580x128xi32, #tpu.memory_space<hbm>>
      %dma_start3A_35 = arith.constant 0 : i32
      %dma_start3A_36 = tpu.memref_slice %dma_start3A_34[%select_n3A, %dma_start3A_35] : memref<2580x128xi32, #tpu.memory_space<hbm>> -> memref<80x128xi32, #tpu.memory_space<hbm>>
      %dma_start3A_37 = arith.constant 0 : i32
      %dma_start3A_38 = arith.constant 0 : i32
      %dma_start3A_39 = tpu.memref_slice %arg3[%run_scoped3A, %dma_start3A_37, %dma_start3A_38] : memref<2x2580x128xi32, #tpu.memory_space<hbm>> -> memref<1x2580x128xi32, #tpu.memory_space<hbm>>
      %dma_start3A_40 = tpu.memref_squeeze %dma_start3A_39 : memref<1x2580x128xi32, #tpu.memory_space<hbm>> -> memref<2580x128xi32, #tpu.memory_space<hbm>>
      %dma_start3A_41 = arith.constant 0 : i32
      %dma_start3A_42 = tpu.memref_slice %dma_start3A_40[%select_n3A, %dma_start3A_41] : memref<2580x128xi32, #tpu.memory_space<hbm>> -> memref<80x128xi32, #tpu.memory_space<hbm>>
      tpu.enqueue_dma source(%dma_start3A_42 : memref<80x128xi32, #tpu.memory_space<hbm>>) target(%arg6 : memref<80x128xi32, #tpu.memory_space<vmem>>) target_semaphore(%run_scoped3A_31 : memref<!tpu.dma_semaphore, #tpu.memory_space<semaphore_mem>>)
      %dma_wait3A = arith.constant 0 : i32
      %dma_wait3A_43 = arith.constant 0 : i32
      %dma_wait3A_44 = tpu.memref_slice %arg3[%run_scoped3A, %dma_wait3A, %dma_wait3A_43] : memref<2x2580x128xi32, #tpu.memory_space<hbm>> -> memref<1x2580x128xi32, #tpu.memory_space<hbm>>
      %dma_wait3A_45 = tpu.memref_squeeze %dma_wait3A_44 : memref<1x2580x128xi32, #tpu.memory_space<hbm>> -> memref<2580x128xi32, #tpu.memory_space<hbm>>
      %dma_wait3A_46 = arith.constant 0 : i32
      %dma_wait3A_47 = tpu.memref_slice %dma_wait3A_45[%select_n3A, %dma_wait3A_46] : memref<2580x128xi32, #tpu.memory_space<hbm>> -> memref<80x128xi32, #tpu.memory_space<hbm>>
      %dma_wait3A_48 = arith.constant 0 : i32
      %dma_wait3A_49 = arith.constant 0 : i32
      %dma_wait3A_50 = tpu.memref_slice %arg3[%run_scoped3A, %dma_wait3A_48, %dma_wait3A_49] : memref<2x2580x128xi32, #tpu.memory_space<hbm>> -> memref<1x2580x128xi32, #tpu.memory_space<hbm>>
      %dma_wait3A_51 = tpu.memref_squeeze %dma_wait3A_50 : memref<1x2580x128xi32, #tpu.memory_space<hbm>> -> memref<2580x128xi32, #tpu.memory_space<hbm>>
      %dma_wait3A_52 = arith.constant 0 : i32
      %dma_wait3A_53 = tpu.memref_slice %dma_wait3A_51[%select_n3A, %dma_wait3A_52] : memref<2580x128xi32, #tpu.memory_space<hbm>> -> memref<80x128xi32, #tpu.memory_space<hbm>>
      tpu.wait_dma2 semaphore(%run_scoped3A_31 : memref<!tpu.dma_semaphore, #tpu.memory_space<semaphore_mem>>) src(%dma_wait3A_53 : memref<80x128xi32, #tpu.memory_space<hbm>>) dst(%arg6 : memref<80x128xi32, #tpu.memory_space<vmem>>)
      tpu.yield
    }) : () -> ()
    %run_scoped3A_18 = arith.constant 1 : i32
    "tpu.region"() ({
      %run_scoped3A_31 = tpu.sem_alloc : memref<!tpu.dma_semaphore, #tpu.memory_space<semaphore_mem>>
      %dma_start3A = arith.constant 0 : i32
      %dma_start3A_32 = arith.constant 0 : i32
      %dma_start3A_33 = tpu.memref_slice %arg3[%run_scoped3A_18, %dma_start3A, %dma_start3A_32] : memref<2x2580x128xi32, #tpu.memory_space<hbm>> -> memref<1x2580x128xi32, #tpu.memory_space<hbm>>
      %dma_start3A_34 = tpu.memref_squeeze %dma_start3A_33 : memref<1x2580x128xi32, #tpu.memory_space<hbm>> -> memref<2580x128xi32, #tpu.memory_space<hbm>>
      %dma_start3A_35 = arith.constant 0 : i32
      %dma_start3A_36 = tpu.memref_slice %dma_start3A_34[%select_n3A, %dma_start3A_35] : memref<2580x128xi32, #tpu.memory_space<hbm>> -> memref<80x128xi32, #tpu.memory_space<hbm>>
      %dma_start3A_37 = arith.constant 0 : i32
      %dma_start3A_38 = arith.constant 0 : i32
      %dma_start3A_39 = tpu.memref_slice %arg3[%run_scoped3A_18, %dma_start3A_37, %dma_start3A_38] : memref<2x2580x128xi32, #tpu.memory_space<hbm>> -> memref<1x2580x128xi32, #tpu.memory_space<hbm>>
      %dma_start3A_40 = tpu.memref_squeeze %dma_start3A_39 : memref<1x2580x128xi32, #tpu.memory_space<hbm>> -> memref<2580x128xi32, #tpu.memory_space<hbm>>
      %dma_start3A_41 = arith.constant 0 : i32
      %dma_start3A_42 = tpu.memref_slice %dma_start3A_40[%select_n3A, %dma_start3A_41] : memref<2580x128xi32, #tpu.memory_space<hbm>> -> memref<80x128xi32, #tpu.memory_space<hbm>>
      tpu.enqueue_dma source(%dma_start3A_42 : memref<80x128xi32, #tpu.memory_space<hbm>>) target(%arg7 : memref<80x128xi32, #tpu.memory_space<vmem>>) target_semaphore(%run_scoped3A_31 : memref<!tpu.dma_semaphore, #tpu.memory_space<semaphore_mem>>)
      %dma_wait3A = arith.constant 0 : i32
      %dma_wait3A_43 = arith.constant 0 : i32
      %dma_wait3A_44 = tpu.memref_slice %arg3[%run_scoped3A_18, %dma_wait3A, %dma_wait3A_43] : memref<2x2580x128xi32, #tpu.memory_space<hbm>> -> memref<1x2580x128xi32, #tpu.memory_space<hbm>>
      %dma_wait3A_45 = tpu.memref_squeeze %dma_wait3A_44 : memref<1x2580x128xi32, #tpu.memory_space<hbm>> -> memref<2580x128xi32, #tpu.memory_space<hbm>>
      %dma_wait3A_46 = arith.constant 0 : i32
      %dma_wait3A_47 = tpu.memref_slice %dma_wait3A_45[%select_n3A, %dma_wait3A_46] : memref<2580x128xi32, #tpu.memory_space<hbm>> -> memref<80x128xi32, #tpu.memory_space<hbm>>
      %dma_wait3A_48 = arith.constant 0 : i32
      %dma_wait3A_49 = arith.constant 0 : i32
      %dma_wait3A_50 = tpu.memref_slice %arg3[%run_scoped3A_18, %dma_wait3A_48, %dma_wait3A_49] : memref<2x2580x128xi32, #tpu.memory_space<hbm>> -> memref<1x2580x128xi32, #tpu.memory_space<hbm>>
      %dma_wait3A_51 = tpu.memref_squeeze %dma_wait3A_50 : memref<1x2580x128xi32, #tpu.memory_space<hbm>> -> memref<2580x128xi32, #tpu.memory_space<hbm>>
      %dma_wait3A_52 = arith.constant 0 : i32
      %dma_wait3A_53 = tpu.memref_slice %dma_wait3A_51[%select_n3A, %dma_wait3A_52] : memref<2580x128xi32, #tpu.memory_space<hbm>> -> memref<80x128xi32, #tpu.memory_space<hbm>>
      tpu.wait_dma2 semaphore(%run_scoped3A_31 : memref<!tpu.dma_semaphore, #tpu.memory_space<semaphore_mem>>) src(%dma_wait3A_53 : memref<80x128xi32, #tpu.memory_space<hbm>>) dst(%arg7 : memref<80x128xi32, #tpu.memory_space<vmem>>)
      tpu.yield
    }) : () -> ()
    %barrier3A = arith.constant 0 : index
    tpu.barrier barrier_id(%barrier3A)
    %while3A = arith.constant 0 : i32
    %while3A_19 = arith.constant 0 : i32
    %while3A_20 = arith.subi %select_n3A_15, %while3A_19 : i32
    %while3A_21 = arith.addi %while3A_19, %while3A_20 : i32
    %while3A_22 = arith.constant 1 : i32
    %while3A_23 = arith.divsi %while3A_20, %while3A_22 : i32
    %while3A_24 = arith.muli %while3A_23, %while3A_22 : i32
    %while3A_25 = arith.addi %while3A_19, %while3A_24 : i32
    %while3A_26 = arith.constant 1 : i32
    scf.for %while3A_31 = %while3A_19 to %while3A_25 step %while3A_26  : i32 {
      %dma_start3A = arith.constant 0 : i32
      %dma_start3A_32 = tpu.memref_slice %arg6[%while3A_31, %dma_start3A] : memref<80x128xi32, #tpu.memory_space<vmem>> -> memref<1x128xi32, #tpu.memory_space<vmem>>
      %dma_start3A_33 = tpu.memref_squeeze %dma_start3A_32 : memref<1x128xi32, #tpu.memory_space<vmem>> -> memref<128xi32, #tpu.memory_space<vmem>>
      %dma_start3A_34 = arith.constant 0 : i32
      %dma_start3A_35 = arith.constant 0 : i32
      %dma_start3A_36 = tpu.memref_slice %arg2[%dma_start3A_34, %dma_start3A_35] : memref<10000x128xf32, #tpu.memory_space<hbm>> -> memref<10000x128xf32, #tpu.memory_space<hbm>>
      tpu.enqueue_indirect_dma source(%dma_start3A_36 : memref<10000x128xf32, #tpu.memory_space<hbm>>) target(%arg8 : memref<128x128xf32, #tpu.memory_space<vmem>>) offsets(%dma_start3A_33 : memref<128xi32, #tpu.memory_space<vmem>>) semaphore(%arg10 : memref<!tpu.dma_semaphore, #tpu.memory_space<semaphore_mem>>)
      %dma_wait3A = arith.constant 0 : i32
      %dma_wait3A_37 = tpu.memref_slice %arg6[%while3A_31, %dma_wait3A] : memref<80x128xi32, #tpu.memory_space<vmem>> -> memref<1x128xi32, #tpu.memory_space<vmem>>
      %dma_wait3A_38 = tpu.memref_squeeze %dma_wait3A_37 : memref<1x128xi32, #tpu.memory_space<vmem>> -> memref<128xi32, #tpu.memory_space<vmem>>
      %dma_wait3A_39 = arith.constant 0 : i32
      %dma_wait3A_40 = arith.constant 0 : i32
      %dma_wait3A_41 = tpu.memref_slice %arg2[%dma_wait3A_39, %dma_wait3A_40] : memref<10000x128xf32, #tpu.memory_space<hbm>> -> memref<10000x128xf32, #tpu.memory_space<hbm>>
      tpu.wait_indirect_dma semaphore(%arg10 : memref<!tpu.dma_semaphore, #tpu.memory_space<semaphore_mem>>) src(%dma_wait3A_41 : memref<10000x128xf32, #tpu.memory_space<hbm>>) dst(%arg8 : memref<128x128xf32, #tpu.memory_space<vmem>>)
      "tpu.region"() ({
        %run_scoped3A_42 = tpu.sem_alloc : memref<!tpu.dma_semaphore, #tpu.memory_space<semaphore_mem>>
        %dma_start3A_43 = arith.constant 0 : i32
        %dma_start3A_44 = tpu.memref_slice %arg7[%while3A_31, %dma_start3A_43] : memref<80x128xi32, #tpu.memory_space<vmem>> -> memref<1x128xi32, #tpu.memory_space<vmem>>
        %dma_start3A_45 = tpu.memref_squeeze %dma_start3A_44 : memref<1x128xi32, #tpu.memory_space<vmem>> -> memref<128xi32, #tpu.memory_space<vmem>>
        %dma_start3A_46 = arith.constant 0 : i32
        %dma_start3A_47 = arith.constant 0 : i32
        %dma_start3A_48 = tpu.memref_slice %arg9[%dma_start3A_46, %dma_start3A_47] : memref<10112x128xf32, #tpu.memory_space<vmem_shared>> -> memref<10112x128xf32, #tpu.memory_space<vmem_shared>>
        tpu.enqueue_indirect_dma source(%arg8 : memref<128x128xf32, #tpu.memory_space<vmem>>) target(%dma_start3A_48 : memref<10112x128xf32, #tpu.memory_space<vmem_shared>>) offsets(%dma_start3A_45 : memref<128xi32, #tpu.memory_space<vmem>>) semaphore(%run_scoped3A_42 : memref<!tpu.dma_semaphore, #tpu.memory_space<semaphore_mem>>) {add = true}
        %dma_wait3A_49 = arith.constant 0 : i32
        %dma_wait3A_50 = tpu.memref_slice %arg7[%while3A_31, %dma_wait3A_49] : memref<80x128xi32, #tpu.memory_space<vmem>> -> memref<1x128xi32, #tpu.memory_space<vmem>>
        %dma_wait3A_51 = tpu.memref_squeeze %dma_wait3A_50 : memref<1x128xi32, #tpu.memory_space<vmem>> -> memref<128xi32, #tpu.memory_space<vmem>>
        %dma_wait3A_52 = arith.constant 0 : i32
        %dma_wait3A_53 = arith.constant 0 : i32
        %dma_wait3A_54 = tpu.memref_slice %arg9[%dma_wait3A_52, %dma_wait3A_53] : memref<10112x128xf32, #tpu.memory_space<vmem_shared>> -> memref<10112x128xf32, #tpu.memory_space<vmem_shared>>
        tpu.wait_indirect_dma semaphore(%run_scoped3A_42 : memref<!tpu.dma_semaphore, #tpu.memory_space<semaphore_mem>>) src(%arg8 : memref<128x128xf32, #tpu.memory_space<vmem>>) dst(%dma_wait3A_54 : memref<10112x128xf32, #tpu.memory_space<vmem_shared>>)
        tpu.yield
      }) : () -> ()
    }
    %while3A_27 = arith.constant 1 : i32
    scf.for %while3A_31 = %while3A_25 to %while3A_21 step %while3A_27  : i32 {
      %dma_start3A = arith.constant 0 : i32
      %dma_start3A_32 = tpu.memref_slice %arg6[%while3A_31, %dma_start3A] : memref<80x128xi32, #tpu.memory_space<vmem>> -> memref<1x128xi32, #tpu.memory_space<vmem>>
      %dma_start3A_33 = tpu.memref_squeeze %dma_start3A_32 : memref<1x128xi32, #tpu.memory_space<vmem>> -> memref<128xi32, #tpu.memory_space<vmem>>
      %dma_start3A_34 = arith.constant 0 : i32
      %dma_start3A_35 = arith.constant 0 : i32
      %dma_start3A_36 = tpu.memref_slice %arg2[%dma_start3A_34, %dma_start3A_35] : memref<10000x128xf32, #tpu.memory_space<hbm>> -> memref<10000x128xf32, #tpu.memory_space<hbm>>
      tpu.enqueue_indirect_dma source(%dma_start3A_36 : memref<10000x128xf32, #tpu.memory_space<hbm>>) target(%arg8 : memref<128x128xf32, #tpu.memory_space<vmem>>) offsets(%dma_start3A_33 : memref<128xi32, #tpu.memory_space<vmem>>) semaphore(%arg10 : memref<!tpu.dma_semaphore, #tpu.memory_space<semaphore_mem>>)
      %dma_wait3A = arith.constant 0 : i32
      %dma_wait3A_37 = tpu.memref_slice %arg6[%while3A_31, %dma_wait3A] : memref<80x128xi32, #tpu.memory_space<vmem>> -> memref<1x128xi32, #tpu.memory_space<vmem>>
      %dma_wait3A_38 = tpu.memref_squeeze %dma_wait3A_37 : memref<1x128xi32, #tpu.memory_space<vmem>> -> memref<128xi32, #tpu.memory_space<vmem>>
      %dma_wait3A_39 = arith.constant 0 : i32
      %dma_wait3A_40 = arith.constant 0 : i32
      %dma_wait3A_41 = tpu.memref_slice %arg2[%dma_wait3A_39, %dma_wait3A_40] : memref<10000x128xf32, #tpu.memory_space<hbm>> -> memref<10000x128xf32, #tpu.memory_space<hbm>>
      tpu.wait_indirect_dma semaphore(%arg10 : memref<!tpu.dma_semaphore, #tpu.memory_space<semaphore_mem>>) src(%dma_wait3A_41 : memref<10000x128xf32, #tpu.memory_space<hbm>>) dst(%arg8 : memref<128x128xf32, #tpu.memory_space<vmem>>)
      "tpu.region"() ({
        %run_scoped3A_42 = tpu.sem_alloc : memref<!tpu.dma_semaphore, #tpu.memory_space<semaphore_mem>>
        %dma_start3A_43 = arith.constant 0 : i32
        %dma_start3A_44 = tpu.memref_slice %arg7[%while3A_31, %dma_start3A_43] : memref<80x128xi32, #tpu.memory_space<vmem>> -> memref<1x128xi32, #tpu.memory_space<vmem>>
        %dma_start3A_45 = tpu.memref_squeeze %dma_start3A_44 : memref<1x128xi32, #tpu.memory_space<vmem>> -> memref<128xi32, #tpu.memory_space<vmem>>
        %dma_start3A_46 = arith.constant 0 : i32
        %dma_start3A_47 = arith.constant 0 : i32
        %dma_start3A_48 = tpu.memref_slice %arg9[%dma_start3A_46, %dma_start3A_47] : memref<10112x128xf32, #tpu.memory_space<vmem_shared>> -> memref<10112x128xf32, #tpu.memory_space<vmem_shared>>
        tpu.enqueue_indirect_dma source(%arg8 : memref<128x128xf32, #tpu.memory_space<vmem>>) target(%dma_start3A_48 : memref<10112x128xf32, #tpu.memory_space<vmem_shared>>) offsets(%dma_start3A_45 : memref<128xi32, #tpu.memory_space<vmem>>) semaphore(%run_scoped3A_42 : memref<!tpu.dma_semaphore, #tpu.memory_space<semaphore_mem>>) {add = true}
        %dma_wait3A_49 = arith.constant 0 : i32
        %dma_wait3A_50 = tpu.memref_slice %arg7[%while3A_31, %dma_wait3A_49] : memref<80x128xi32, #tpu.memory_space<vmem>> -> memref<1x128xi32, #tpu.memory_space<vmem>>
        %dma_wait3A_51 = tpu.memref_squeeze %dma_wait3A_50 : memref<1x128xi32, #tpu.memory_space<vmem>> -> memref<128xi32, #tpu.memory_space<vmem>>
        %dma_wait3A_52 = arith.constant 0 : i32
        %dma_wait3A_53 = arith.constant 0 : i32
        %dma_wait3A_54 = tpu.memref_slice %arg9[%dma_wait3A_52, %dma_wait3A_53] : memref<10112x128xf32, #tpu.memory_space<vmem_shared>> -> memref<10112x128xf32, #tpu.memory_space<vmem_shared>>
        tpu.wait_indirect_dma semaphore(%run_scoped3A_42 : memref<!tpu.dma_semaphore, #tpu.memory_space<semaphore_mem>>) src(%arg8 : memref<128x128xf32, #tpu.memory_space<vmem>>) dst(%dma_wait3A_54 : memref<10112x128xf32, #tpu.memory_space<vmem_shared>>)
        tpu.yield
      }) : () -> ()
    }
    %barrier3A_28 = arith.constant 0 : index
    tpu.barrier barrier_id(%barrier3A_28)
    %mul3A_29 = arith.constant 632 : i32
    %mul3A_30 = arith.muli %arg1, %mul3A_29 : i32
    "tpu.region"() ({
      %run_scoped3A_31 = tpu.sem_alloc : memref<!tpu.dma_semaphore, #tpu.memory_space<semaphore_mem>>
      %dma_start3A = arith.constant 0 : i32
      %dma_start3A_32 = arith.constant 0 : i32
      %dma_start3A_33 = tpu.memref_slice %arg5[%arg0, %dma_start3A, %dma_start3A_32] : memref<2x10112x128xf32, #tpu.memory_space<hbm>> -> memref<1x10112x128xf32, #tpu.memory_space<hbm>>
      %dma_start3A_34 = tpu.memref_squeeze %dma_start3A_33 : memref<1x10112x128xf32, #tpu.memory_space<hbm>> -> memref<10112x128xf32, #tpu.memory_space<hbm>>
      %dma_start3A_35 = arith.constant 0 : i32
      %dma_start3A_36 = tpu.memref_slice %dma_start3A_34[%mul3A_30, %dma_start3A_35] : memref<10112x128xf32, #tpu.memory_space<hbm>> -> memref<632x128xf32, #tpu.memory_space<hbm>>
      %dma_start3A_37 = arith.constant 0 : i32
      %dma_start3A_38 = tpu.memref_slice %arg9[%mul3A_30, %dma_start3A_37] : memref<10112x128xf32, #tpu.memory_space<vmem_shared>> -> memref<632x128xf32, #tpu.memory_space<vmem_shared>>
      tpu.enqueue_dma source(%dma_start3A_38 : memref<632x128xf32, #tpu.memory_space<vmem_shared>>) target(%dma_start3A_36 : memref<632x128xf32, #tpu.memory_space<hbm>>) target_semaphore(%run_scoped3A_31 : memref<!tpu.dma_semaphore, #tpu.memory_space<semaphore_mem>>)
      %dma_wait3A = arith.constant 0 : i32
      %dma_wait3A_39 = arith.constant 0 : i32
      %dma_wait3A_40 = tpu.memref_slice %arg5[%arg0, %dma_wait3A, %dma_wait3A_39] : memref<2x10112x128xf32, #tpu.memory_space<hbm>> -> memref<1x10112x128xf32, #tpu.memory_space<hbm>>
      %dma_wait3A_41 = tpu.memref_squeeze %dma_wait3A_40 : memref<1x10112x128xf32, #tpu.memory_space<hbm>> -> memref<10112x128xf32, #tpu.memory_space<hbm>>
      %dma_wait3A_42 = arith.constant 0 : i32
      %dma_wait3A_43 = tpu.memref_slice %dma_wait3A_41[%mul3A_30, %dma_wait3A_42] : memref<10112x128xf32, #tpu.memory_space<hbm>> -> memref<632x128xf32, #tpu.memory_space<hbm>>
      %dma_wait3A_44 = arith.constant 0 : i32
      %dma_wait3A_45 = tpu.memref_slice %arg9[%mul3A_30, %dma_wait3A_44] : memref<10112x128xf32, #tpu.memory_space<vmem_shared>> -> memref<632x128xf32, #tpu.memory_space<vmem_shared>>
      tpu.wait_dma2 semaphore(%run_scoped3A_31 : memref<!tpu.dma_semaphore, #tpu.memory_space<semaphore_mem>>) src(%dma_wait3A_45 : memref<632x128xf32, #tpu.memory_space<vmem_shared>>) dst(%dma_wait3A_43 : memref<632x128xf32, #tpu.memory_space<hbm>>)
      tpu.yield
    }) : () -> ()
    return
  }
}

module attributes {stable_mosaic.version = 14 : i64} {
  func.func @_entry_body(%arg0: i32, %arg1: memref<2000x128xf32, #tpu.memory_space<vmem>>, %arg2: memref<128x256xf32, #tpu.memory_space<vmem>>, %arg3: memref<2000x128xf32, #tpu.memory_space<vmem>>, %arg4: memref<2000x128xf32, #tpu.memory_space<vmem>>) attributes {dimension_semantics = [#tpu.dimension_semantics<arbitrary>], iteration_bounds = array<i64: 5>, scalar_prefetch = 0 : i64, scratch_operands = 0 : i64, tpu.core_type = #tpu.core_type<tc>, window_params = [{transform_indices = @transform_0, window_bounds = array<i64: 2000, 128>}, {pipeline_mode = #tpu.pipeline_mode<synchronous>, transform_indices = @transform_1, window_bounds = array<i64: 128, 256>}, {transform_indices = @transform_2, window_bounds = array<i64: 2000, 128>}, {transform_indices = @transform_3, window_bounds = array<i64: 2000, 128>}]} {
    %get3A = arith.constant 0 : index
    %get3A_0 = arith.constant 0 : index
    %get3A_1 = vector.load %arg1[%get3A, %get3A_0] : memref<2000x128xf32, #tpu.memory_space<vmem>>, vector<2000x128xf32>
    %get3A_2 = arith.constant 0 : index
    %get3A_3 = arith.constant 0 : index
    %get3A_4 = vector.load %arg2[%get3A_2, %get3A_3] : memref<128x256xf32, #tpu.memory_space<vmem>>, vector<128x256xf32>
    %dot_general3A = arith.constant dense<0.000000e+00> : vector<2000x256xf32>
    %dot_general3A_5 = tpu.matmul %get3A_1, %get3A_4, %dot_general3A {dimension_numbers = #tpu.dot_dimension_numbers<[1], [0], [0], [1], [0, 0, 1, 1], [], []>, transpose_lhs_hint = false} : vector<2000x128xf32>, vector<128x256xf32>, vector<2000x256xf32> -> vector<2000x256xf32>
    %slice3A = vector.extract_strided_slice %dot_general3A_5 {offsets = [0, 0], sizes = [2000, 128], strides = [1, 1]} : vector<2000x256xf32> to vector<2000x128xf32>
    %swap3A = arith.constant 0 : index
    %swap3A_6 = arith.constant 0 : index
    %swap3A_7 = vector.load %arg3[%swap3A, %swap3A_6] : memref<2000x128xf32, #tpu.memory_space<vmem>>, vector<2000x128xf32>
    tpu.vector_store %arg3[%swap3A, %swap3A_6], %slice3A {strides = array<i32>} : memref<2000x128xf32, #tpu.memory_space<vmem>>, vector<2000x128xf32>,
    %slice3A_8 = vector.extract_strided_slice %dot_general3A_5 {offsets = [0, 128], sizes = [2000, 128], strides = [1, 1]} : vector<2000x256xf32> to vector<2000x128xf32>
    %swap3A_9 = arith.constant 0 : index
    %swap3A_10 = arith.constant 0 : index
    %swap3A_11 = vector.load %arg4[%swap3A_9, %swap3A_10] : memref<2000x128xf32, #tpu.memory_space<vmem>>, vector<2000x128xf32>
    tpu.vector_store %arg4[%swap3A_9, %swap3A_10], %slice3A_8 {strides = array<i32>} : memref<2000x128xf32, #tpu.memory_space<vmem>>, vector<2000x128xf32>,
    return
  }
  func.func @transform_0(%arg0: i32) -> (i32, i32) {
    %c0_i32 = arith.constant 0 : i32
    %c0_i32_0 = arith.constant 0 : i32
    return %arg0, %c0_i32 : i32, i32
  }
  func.func @transform_1(%arg0: i32) -> (i32, i32) {
    %c0_i32 = arith.constant 0 : i32
    %c0_i32_0 = arith.constant 0 : i32
    %c0_i32_1 = arith.constant 0 : i32
    return %c0_i32, %c0_i32_0 : i32, i32
  }
  func.func @transform_2(%arg0: i32) -> (i32, i32) {
    %c0_i32 = arith.constant 0 : i32
    %c0_i32_0 = arith.constant 0 : i32
    return %arg0, %c0_i32 : i32, i32
  }
  func.func @transform_3(%arg0: i32) -> (i32, i32) {
    %c0_i32 = arith.constant 0 : i32
    %c0_i32_0 = arith.constant 0 : i32
    return %arg0, %c0_i32 : i32, i32
  }
}

module attributes {stable_mosaic.version = 14 : i64} {
  func.func @_mid_body(%arg0: i32, %arg1: memref<1x2000x128xf32, #tpu.memory_space<vmem>>, %arg2: memref<1x2000x128xf32, #tpu.memory_space<vmem>>, %arg3: memref<1x2000x16xf32, #tpu.memory_space<vmem>>, %arg4: memref<1x2000x16xf32, #tpu.memory_space<vmem>>, %arg5: memref<2000x128xf32, #tpu.memory_space<vmem>>, %arg6: memref<1x128xf32, #tpu.memory_space<vmem>>, %arg7: memref<128x256xf32, #tpu.memory_space<vmem>>, %arg8: memref<2000x128xf32, #tpu.memory_space<vmem>>, %arg9: memref<2000x128xf32, #tpu.memory_space<vmem>>) attributes {dimension_semantics = [#tpu.dimension_semantics<arbitrary>], iteration_bounds = array<i64: 5>, scalar_prefetch = 0 : i64, scratch_operands = 0 : i64, tpu.core_type = #tpu.core_type<tc>, window_params = [{transform_indices = @transform_0, window_bounds = array<i64: 1, 2000, 128>}, {transform_indices = @transform_1, window_bounds = array<i64: 1, 2000, 128>}, {transform_indices = @transform_2, window_bounds = array<i64: 1, 2000, 16>}, {transform_indices = @transform_3, window_bounds = array<i64: 1, 2000, 16>}, {transform_indices = @transform_4, window_bounds = array<i64: 2000, 128>}, {pipeline_mode = #tpu.pipeline_mode<synchronous>, transform_indices = @transform_5, window_bounds = array<i64: 1, 128>}, {pipeline_mode = #tpu.pipeline_mode<synchronous>, transform_indices = @transform_6, window_bounds = array<i64: 128, 256>}, {transform_indices = @transform_7, window_bounds = array<i64: 2000, 128>}, {transform_indices = @transform_8, window_bounds = array<i64: 2000, 128>}]} {
    %get3A = arith.constant 0 : index
    %get3A_0 = arith.constant 0 : index
    %get3A_1 = arith.constant 0 : index
    %get3A_2 = vector.load %arg3[%get3A, %get3A_0, %get3A_1] : memref<1x2000x16xf32, #tpu.memory_space<vmem>>, vector<1x2000x16xf32>
    %get3A_3 = vector.shape_cast %get3A_2 : vector<1x2000x16xf32> to vector<2000x16xf32>
    %slice3A = vector.extract_strided_slice %get3A_3 {offsets = [0, 0], sizes = [2000, 1], strides = [1, 1]} : vector<2000x16xf32> to vector<2000x1xf32>
    %get3A_4 = arith.constant 0 : index
    %get3A_5 = arith.constant 0 : index
    %get3A_6 = arith.constant 0 : index
    %get3A_7 = vector.load %arg4[%get3A_4, %get3A_5, %get3A_6] : memref<1x2000x16xf32, #tpu.memory_space<vmem>>, vector<1x2000x16xf32>
    %get3A_8 = vector.shape_cast %get3A_7 : vector<1x2000x16xf32> to vector<2000x16xf32>
    %slice3A_9 = vector.extract_strided_slice %get3A_8 {offsets = [0, 0], sizes = [2000, 1], strides = [1, 1]} : vector<2000x16xf32> to vector<2000x1xf32>
    %add3A = arith.addf %slice3A, %slice3A_9 : vector<2000x1xf32>
    %max3A = arith.constant 1.000000e+00 : f32
    %max3A_10 = vector.broadcast %max3A : f32 to vector<2000x1xf32>
    %max3A_11 = arith.maximumf %add3A, %max3A_10 : vector<2000x1xf32>
    %div3A = arith.constant 1.000000e+00 : f32
    %div3A_12 = vector.broadcast %div3A : f32 to vector<2000x1xf32>
    %div3A_13 = arith.divf %div3A_12, %max3A_11 : vector<2000x1xf32>
    %get3A_14 = arith.constant 0 : index
    %get3A_15 = arith.constant 0 : index
    %get3A_16 = arith.constant 0 : index
    %get3A_17 = vector.load %arg1[%get3A_14, %get3A_15, %get3A_16] : memref<1x2000x128xf32, #tpu.memory_space<vmem>>, vector<1x2000x128xf32>
    %get3A_18 = vector.shape_cast %get3A_17 : vector<1x2000x128xf32> to vector<2000x128xf32>
    %get3A_19 = arith.constant 0 : index
    %get3A_20 = arith.constant 0 : index
    %get3A_21 = arith.constant 0 : index
    %get3A_22 = vector.load %arg2[%get3A_19, %get3A_20, %get3A_21] : memref<1x2000x128xf32, #tpu.memory_space<vmem>>, vector<1x2000x128xf32>
    %get3A_23 = vector.shape_cast %get3A_22 : vector<1x2000x128xf32> to vector<2000x128xf32>
    %add3A_24 = arith.addf %get3A_18, %get3A_23 : vector<2000x128xf32>
    %mul3A = vector.broadcast %div3A_13 : vector<2000x1xf32> to vector<2000x128xf32>
    %mul3A_25 = arith.mulf %add3A_24, %mul3A : vector<2000x128xf32>
    %get3A_26 = arith.constant 0 : index
    %get3A_27 = arith.constant 0 : index
    %get3A_28 = vector.load %arg6[%get3A_26, %get3A_27] : memref<1x128xf32, #tpu.memory_space<vmem>>, vector<1x128xf32>
    %add3A_29 = vector.broadcast %get3A_28 : vector<1x128xf32> to vector<2000x128xf32>
    %add3A_30 = arith.addf %mul3A_25, %add3A_29 : vector<2000x128xf32>
    %get3A_31 = arith.constant 0 : index
    %get3A_32 = arith.constant 0 : index
    %get3A_33 = vector.load %arg5[%get3A_31, %get3A_32] : memref<2000x128xf32, #tpu.memory_space<vmem>>, vector<2000x128xf32>
    %add3A_34 = arith.addf %add3A_30, %get3A_33 : vector<2000x128xf32>
    %max3A_35 = arith.constant 0.000000e+00 : f32
    %max3A_36 = vector.broadcast %max3A_35 : f32 to vector<2000x128xf32>
    %max3A_37 = arith.maximumf %add3A_34, %max3A_36 : vector<2000x128xf32>
    %get3A_38 = arith.constant 0 : index
    %get3A_39 = arith.constant 0 : index
    %get3A_40 = vector.load %arg7[%get3A_38, %get3A_39] : memref<128x256xf32, #tpu.memory_space<vmem>>, vector<128x256xf32>
    %dot_general3A = arith.constant dense<0.000000e+00> : vector<2000x256xf32>
    %dot_general3A_41 = tpu.matmul %max3A_37, %get3A_40, %dot_general3A {dimension_numbers = #tpu.dot_dimension_numbers<[1], [0], [0], [1], [0, 0, 1, 1], [], []>, transpose_lhs_hint = false} : vector<2000x128xf32>, vector<128x256xf32>, vector<2000x256xf32> -> vector<2000x256xf32>
    %slice3A_42 = vector.extract_strided_slice %dot_general3A_41 {offsets = [0, 0], sizes = [2000, 128], strides = [1, 1]} : vector<2000x256xf32> to vector<2000x128xf32>
    %swap3A = arith.constant 0 : index
    %swap3A_43 = arith.constant 0 : index
    %swap3A_44 = vector.load %arg8[%swap3A, %swap3A_43] : memref<2000x128xf32, #tpu.memory_space<vmem>>, vector<2000x128xf32>
    tpu.vector_store %arg8[%swap3A, %swap3A_43], %slice3A_42 {strides = array<i32>} : memref<2000x128xf32, #tpu.memory_space<vmem>>, vector<2000x128xf32>,
    %slice3A_45 = vector.extract_strided_slice %dot_general3A_41 {offsets = [0, 128], sizes = [2000, 128], strides = [1, 1]} : vector<2000x256xf32> to vector<2000x128xf32>
    %swap3A_46 = arith.constant 0 : index
    %swap3A_47 = arith.constant 0 : index
    %swap3A_48 = vector.load %arg9[%swap3A_46, %swap3A_47] : memref<2000x128xf32, #tpu.memory_space<vmem>>, vector<2000x128xf32>
    tpu.vector_store %arg9[%swap3A_46, %swap3A_47], %slice3A_45 {strides = array<i32>} : memref<2000x128xf32, #tpu.memory_space<vmem>>, vector<2000x128xf32>,
    return
  }
  func.func @transform_0(%arg0: i32) -> (i32, i32, i32) {
    %c0_i32 = arith.constant 0 : i32
    %c0_i32_0 = arith.constant 0 : i32
    %c0_i32_1 = arith.constant 0 : i32
    return %c0_i32, %arg0, %c0_i32_0 : i32, i32, i32
  }
  func.func @transform_1(%arg0: i32) -> (i32, i32, i32) {
    %c1_i32 = arith.constant 1 : i32
    %c0_i32 = arith.constant 0 : i32
    %c0_i32_0 = arith.constant 0 : i32
    return %c1_i32, %arg0, %c0_i32 : i32, i32, i32
  }
  func.func @transform_2(%arg0: i32) -> (i32, i32, i32) {
    %c0_i32 = arith.constant 0 : i32
    %c0_i32_0 = arith.constant 0 : i32
    %c0_i32_1 = arith.constant 0 : i32
    return %c0_i32, %arg0, %c0_i32_0 : i32, i32, i32
  }
  func.func @transform_3(%arg0: i32) -> (i32, i32, i32) {
    %c1_i32 = arith.constant 1 : i32
    %c0_i32 = arith.constant 0 : i32
    %c0_i32_0 = arith.constant 0 : i32
    return %c1_i32, %arg0, %c0_i32 : i32, i32, i32
  }
  func.func @transform_4(%arg0: i32) -> (i32, i32) {
    %c0_i32 = arith.constant 0 : i32
    %c0_i32_0 = arith.constant 0 : i32
    return %arg0, %c0_i32 : i32, i32
  }
  func.func @transform_5(%arg0: i32) -> (i32, i32) {
    %c0_i32 = arith.constant 0 : i32
    %c0_i32_0 = arith.constant 0 : i32
    %c0_i32_1 = arith.constant 0 : i32
    return %c0_i32, %c0_i32_0 : i32, i32
  }
  func.func @transform_6(%arg0: i32) -> (i32, i32) {
    %c0_i32 = arith.constant 0 : i32
    %c0_i32_0 = arith.constant 0 : i32
    %c0_i32_1 = arith.constant 0 : i32
    return %c0_i32, %c0_i32_0 : i32, i32
  }
  func.func @transform_7(%arg0: i32) -> (i32, i32) {
    %c0_i32 = arith.constant 0 : i32
    %c0_i32_0 = arith.constant 0 : i32
    return %arg0, %c0_i32 : i32, i32
  }
  func.func @transform_8(%arg0: i32) -> (i32, i32) {
    %c0_i32 = arith.constant 0 : i32
    %c0_i32_0 = arith.constant 0 : i32
    return %arg0, %c0_i32 : i32, i32
  }
}

module attributes {stable_mosaic.version = 14 : i64} {
  func.func @_mid_body(%arg0: i32, %arg1: memref<1x2000x128xf32, #tpu.memory_space<vmem>>, %arg2: memref<1x2000x128xf32, #tpu.memory_space<vmem>>, %arg3: memref<1x2000x16xf32, #tpu.memory_space<vmem>>, %arg4: memref<1x2000x16xf32, #tpu.memory_space<vmem>>, %arg5: memref<2000x128xf32, #tpu.memory_space<vmem>>, %arg6: memref<1x128xf32, #tpu.memory_space<vmem>>, %arg7: memref<128x96xf32, #tpu.memory_space<vmem>>, %arg8: memref<2000x48xf32, #tpu.memory_space<vmem>>, %arg9: memref<2000x48xf32, #tpu.memory_space<vmem>>, %arg10: memref<2000x128xf32, #tpu.memory_space<vmem>>) attributes {dimension_semantics = [#tpu.dimension_semantics<arbitrary>], iteration_bounds = array<i64: 5>, scalar_prefetch = 0 : i64, scratch_operands = 0 : i64, tpu.core_type = #tpu.core_type<tc>, window_params = [{transform_indices = @transform_0, window_bounds = array<i64: 1, 2000, 128>}, {transform_indices = @transform_1, window_bounds = array<i64: 1, 2000, 128>}, {transform_indices = @transform_2, window_bounds = array<i64: 1, 2000, 16>}, {transform_indices = @transform_3, window_bounds = array<i64: 1, 2000, 16>}, {transform_indices = @transform_4, window_bounds = array<i64: 2000, 128>}, {pipeline_mode = #tpu.pipeline_mode<synchronous>, transform_indices = @transform_5, window_bounds = array<i64: 1, 128>}, {pipeline_mode = #tpu.pipeline_mode<synchronous>, transform_indices = @transform_6, window_bounds = array<i64: 128, 96>}, {transform_indices = @transform_7, window_bounds = array<i64: 2000, 48>}, {transform_indices = @transform_8, window_bounds = array<i64: 2000, 48>}, {transform_indices = @transform_9, window_bounds = array<i64: 2000, 128>}]} {
    %get3A = arith.constant 0 : index
    %get3A_0 = arith.constant 0 : index
    %get3A_1 = arith.constant 0 : index
    %get3A_2 = vector.load %arg3[%get3A, %get3A_0, %get3A_1] : memref<1x2000x16xf32, #tpu.memory_space<vmem>>, vector<1x2000x16xf32>
    %get3A_3 = vector.shape_cast %get3A_2 : vector<1x2000x16xf32> to vector<2000x16xf32>
    %slice3A = vector.extract_strided_slice %get3A_3 {offsets = [0, 0], sizes = [2000, 1], strides = [1, 1]} : vector<2000x16xf32> to vector<2000x1xf32>
    %get3A_4 = arith.constant 0 : index
    %get3A_5 = arith.constant 0 : index
    %get3A_6 = arith.constant 0 : index
    %get3A_7 = vector.load %arg4[%get3A_4, %get3A_5, %get3A_6] : memref<1x2000x16xf32, #tpu.memory_space<vmem>>, vector<1x2000x16xf32>
    %get3A_8 = vector.shape_cast %get3A_7 : vector<1x2000x16xf32> to vector<2000x16xf32>
    %slice3A_9 = vector.extract_strided_slice %get3A_8 {offsets = [0, 0], sizes = [2000, 1], strides = [1, 1]} : vector<2000x16xf32> to vector<2000x1xf32>
    %add3A = arith.addf %slice3A, %slice3A_9 : vector<2000x1xf32>
    %max3A = arith.constant 1.000000e+00 : f32
    %max3A_10 = vector.broadcast %max3A : f32 to vector<2000x1xf32>
    %max3A_11 = arith.maximumf %add3A, %max3A_10 : vector<2000x1xf32>
    %div3A = arith.constant 1.000000e+00 : f32
    %div3A_12 = vector.broadcast %div3A : f32 to vector<2000x1xf32>
    %div3A_13 = arith.divf %div3A_12, %max3A_11 : vector<2000x1xf32>
    %get3A_14 = arith.constant 0 : index
    %get3A_15 = arith.constant 0 : index
    %get3A_16 = arith.constant 0 : index
    %get3A_17 = vector.load %arg1[%get3A_14, %get3A_15, %get3A_16] : memref<1x2000x128xf32, #tpu.memory_space<vmem>>, vector<1x2000x128xf32>
    %get3A_18 = vector.shape_cast %get3A_17 : vector<1x2000x128xf32> to vector<2000x128xf32>
    %get3A_19 = arith.constant 0 : index
    %get3A_20 = arith.constant 0 : index
    %get3A_21 = arith.constant 0 : index
    %get3A_22 = vector.load %arg2[%get3A_19, %get3A_20, %get3A_21] : memref<1x2000x128xf32, #tpu.memory_space<vmem>>, vector<1x2000x128xf32>
    %get3A_23 = vector.shape_cast %get3A_22 : vector<1x2000x128xf32> to vector<2000x128xf32>
    %add3A_24 = arith.addf %get3A_18, %get3A_23 : vector<2000x128xf32>
    %mul3A = vector.broadcast %div3A_13 : vector<2000x1xf32> to vector<2000x128xf32>
    %mul3A_25 = arith.mulf %add3A_24, %mul3A : vector<2000x128xf32>
    %get3A_26 = arith.constant 0 : index
    %get3A_27 = arith.constant 0 : index
    %get3A_28 = vector.load %arg6[%get3A_26, %get3A_27] : memref<1x128xf32, #tpu.memory_space<vmem>>, vector<1x128xf32>
    %add3A_29 = vector.broadcast %get3A_28 : vector<1x128xf32> to vector<2000x128xf32>
    %add3A_30 = arith.addf %mul3A_25, %add3A_29 : vector<2000x128xf32>
    %get3A_31 = arith.constant 0 : index
    %get3A_32 = arith.constant 0 : index
    %get3A_33 = vector.load %arg5[%get3A_31, %get3A_32] : memref<2000x128xf32, #tpu.memory_space<vmem>>, vector<2000x128xf32>
    %add3A_34 = arith.addf %add3A_30, %get3A_33 : vector<2000x128xf32>
    %max3A_35 = arith.constant 0.000000e+00 : f32
    %max3A_36 = vector.broadcast %max3A_35 : f32 to vector<2000x128xf32>
    %max3A_37 = arith.maximumf %add3A_34, %max3A_36 : vector<2000x128xf32>
    %get3A_38 = arith.constant 0 : index
    %get3A_39 = arith.constant 0 : index
    %get3A_40 = vector.load %arg7[%get3A_38, %get3A_39] : memref<128x96xf32, #tpu.memory_space<vmem>>, vector<128x96xf32>
    %dot_general3A = arith.constant dense<0.000000e+00> : vector<2000x96xf32>
    %dot_general3A_41 = tpu.matmul %max3A_37, %get3A_40, %dot_general3A {dimension_numbers = #tpu.dot_dimension_numbers<[1], [0], [0], [1], [0, 0, 1, 1], [], []>, transpose_lhs_hint = false} : vector<2000x128xf32>, vector<128x96xf32>, vector<2000x96xf32> -> vector<2000x96xf32>
    %slice3A_42 = vector.extract_strided_slice %dot_general3A_41 {offsets = [0, 0], sizes = [2000, 48], strides = [1, 1]} : vector<2000x96xf32> to vector<2000x48xf32>
    %swap3A = arith.constant 0 : index
    %swap3A_43 = arith.constant 0 : index
    %swap3A_44 = vector.load %arg8[%swap3A, %swap3A_43] : memref<2000x48xf32, #tpu.memory_space<vmem>>, vector<2000x48xf32>
    tpu.vector_store %arg8[%swap3A, %swap3A_43], %slice3A_42 {strides = array<i32>} : memref<2000x48xf32, #tpu.memory_space<vmem>>, vector<2000x48xf32>,
    %slice3A_45 = vector.extract_strided_slice %dot_general3A_41 {offsets = [0, 48], sizes = [2000, 48], strides = [1, 1]} : vector<2000x96xf32> to vector<2000x48xf32>
    %swap3A_46 = arith.constant 0 : index
    %swap3A_47 = arith.constant 0 : index
    %swap3A_48 = vector.load %arg9[%swap3A_46, %swap3A_47] : memref<2000x48xf32, #tpu.memory_space<vmem>>, vector<2000x48xf32>
    tpu.vector_store %arg9[%swap3A_46, %swap3A_47], %slice3A_45 {strides = array<i32>} : memref<2000x48xf32, #tpu.memory_space<vmem>>, vector<2000x48xf32>,
    %swap3A_49 = arith.constant 0 : index
    %swap3A_50 = arith.constant 0 : index
    %swap3A_51 = vector.load %arg10[%swap3A_49, %swap3A_50] : memref<2000x128xf32, #tpu.memory_space<vmem>>, vector<2000x128xf32>
    tpu.vector_store %arg10[%swap3A_49, %swap3A_50], %max3A_37 {strides = array<i32>} : memref<2000x128xf32, #tpu.memory_space<vmem>>, vector<2000x128xf32>,
    return
  }
  func.func @transform_0(%arg0: i32) -> (i32, i32, i32) {
    %c0_i32 = arith.constant 0 : i32
    %c0_i32_0 = arith.constant 0 : i32
    %c0_i32_1 = arith.constant 0 : i32
    return %c0_i32, %arg0, %c0_i32_0 : i32, i32, i32
  }
  func.func @transform_1(%arg0: i32) -> (i32, i32, i32) {
    %c1_i32 = arith.constant 1 : i32
    %c0_i32 = arith.constant 0 : i32
    %c0_i32_0 = arith.constant 0 : i32
    return %c1_i32, %arg0, %c0_i32 : i32, i32, i32
  }
  func.func @transform_2(%arg0: i32) -> (i32, i32, i32) {
    %c0_i32 = arith.constant 0 : i32
    %c0_i32_0 = arith.constant 0 : i32
    %c0_i32_1 = arith.constant 0 : i32
    return %c0_i32, %arg0, %c0_i32_0 : i32, i32, i32
  }
  func.func @transform_3(%arg0: i32) -> (i32, i32, i32) {
    %c1_i32 = arith.constant 1 : i32
    %c0_i32 = arith.constant 0 : i32
    %c0_i32_0 = arith.constant 0 : i32
    return %c1_i32, %arg0, %c0_i32 : i32, i32, i32
  }
  func.func @transform_4(%arg0: i32) -> (i32, i32) {
    %c0_i32 = arith.constant 0 : i32
    %c0_i32_0 = arith.constant 0 : i32
    return %arg0, %c0_i32 : i32, i32
  }
  func.func @transform_5(%arg0: i32) -> (i32, i32) {
    %c0_i32 = arith.constant 0 : i32
    %c0_i32_0 = arith.constant 0 : i32
    %c0_i32_1 = arith.constant 0 : i32
    return %c0_i32, %c0_i32_0 : i32, i32
  }
  func.func @transform_6(%arg0: i32) -> (i32, i32) {
    %c0_i32 = arith.constant 0 : i32
    %c0_i32_0 = arith.constant 0 : i32
    %c0_i32_1 = arith.constant 0 : i32
    return %c0_i32, %c0_i32_0 : i32, i32
  }
  func.func @transform_7(%arg0: i32) -> (i32, i32) {
    %c0_i32 = arith.constant 0 : i32
    %c0_i32_0 = arith.constant 0 : i32
    return %arg0, %c0_i32 : i32, i32
  }
  func.func @transform_8(%arg0: i32) -> (i32, i32) {
    %c0_i32 = arith.constant 0 : i32
    %c0_i32_0 = arith.constant 0 : i32
    return %arg0, %c0_i32 : i32, i32
  }
  func.func @transform_9(%arg0: i32) -> (i32, i32) {
    %c0_i32 = arith.constant 0 : i32
    %c0_i32_0 = arith.constant 0 : i32
    return %arg0, %c0_i32 : i32, i32
  }
}

module attributes {stable_mosaic.version = 14 : i64} {
  func.func @_final_body(%arg0: i32, %arg1: memref<1x2000x48xf32, #tpu.memory_space<vmem>>, %arg2: memref<1x2000x48xf32, #tpu.memory_space<vmem>>, %arg3: memref<1x2000x16xf32, #tpu.memory_space<vmem>>, %arg4: memref<1x2000x16xf32, #tpu.memory_space<vmem>>, %arg5: memref<2000x48xf32, #tpu.memory_space<vmem>>, %arg6: memref<1x48xf32, #tpu.memory_space<vmem>>, %arg7: memref<2000x40xf32, #tpu.memory_space<vmem>>) attributes {dimension_semantics = [#tpu.dimension_semantics<arbitrary>], iteration_bounds = array<i64: 5>, scalar_prefetch = 0 : i64, scratch_operands = 0 : i64, tpu.core_type = #tpu.core_type<tc>, window_params = [{transform_indices = @transform_0, window_bounds = array<i64: 1, 2000, 48>}, {transform_indices = @transform_1, window_bounds = array<i64: 1, 2000, 48>}, {transform_indices = @transform_2, window_bounds = array<i64: 1, 2000, 16>}, {transform_indices = @transform_3, window_bounds = array<i64: 1, 2000, 16>}, {transform_indices = @transform_4, window_bounds = array<i64: 2000, 48>}, {pipeline_mode = #tpu.pipeline_mode<synchronous>, transform_indices = @transform_5, window_bounds = array<i64: 1, 48>}, {transform_indices = @transform_6, window_bounds = array<i64: 2000, 40>}]} {
    %get3A = arith.constant 0 : index
    %get3A_0 = arith.constant 0 : index
    %get3A_1 = arith.constant 0 : index
    %get3A_2 = vector.load %arg3[%get3A, %get3A_0, %get3A_1] : memref<1x2000x16xf32, #tpu.memory_space<vmem>>, vector<1x2000x16xf32>
    %get3A_3 = vector.shape_cast %get3A_2 : vector<1x2000x16xf32> to vector<2000x16xf32>
    %slice3A = vector.extract_strided_slice %get3A_3 {offsets = [0, 0], sizes = [2000, 1], strides = [1, 1]} : vector<2000x16xf32> to vector<2000x1xf32>
    %get3A_4 = arith.constant 0 : index
    %get3A_5 = arith.constant 0 : index
    %get3A_6 = arith.constant 0 : index
    %get3A_7 = vector.load %arg4[%get3A_4, %get3A_5, %get3A_6] : memref<1x2000x16xf32, #tpu.memory_space<vmem>>, vector<1x2000x16xf32>
    %get3A_8 = vector.shape_cast %get3A_7 : vector<1x2000x16xf32> to vector<2000x16xf32>
    %slice3A_9 = vector.extract_strided_slice %get3A_8 {offsets = [0, 0], sizes = [2000, 1], strides = [1, 1]} : vector<2000x16xf32> to vector<2000x1xf32>
    %add3A = arith.addf %slice3A, %slice3A_9 : vector<2000x1xf32>
    %max3A = arith.constant 1.000000e+00 : f32
    %max3A_10 = vector.broadcast %max3A : f32 to vector<2000x1xf32>
    %max3A_11 = arith.maximumf %add3A, %max3A_10 : vector<2000x1xf32>
    %div3A = arith.constant 1.000000e+00 : f32
    %div3A_12 = vector.broadcast %div3A : f32 to vector<2000x1xf32>
    %div3A_13 = arith.divf %div3A_12, %max3A_11 : vector<2000x1xf32>
    %get3A_14 = arith.constant 0 : index
    %get3A_15 = arith.constant 0 : index
    %get3A_16 = arith.constant 0 : index
    %get3A_17 = vector.load %arg1[%get3A_14, %get3A_15, %get3A_16] : memref<1x2000x48xf32, #tpu.memory_space<vmem>>, vector<1x2000x48xf32>
    %get3A_18 = vector.shape_cast %get3A_17 : vector<1x2000x48xf32> to vector<2000x48xf32>
    %get3A_19 = arith.constant 0 : index
    %get3A_20 = arith.constant 0 : index
    %get3A_21 = arith.constant 0 : index
    %get3A_22 = vector.load %arg2[%get3A_19, %get3A_20, %get3A_21] : memref<1x2000x48xf32, #tpu.memory_space<vmem>>, vector<1x2000x48xf32>
    %get3A_23 = vector.shape_cast %get3A_22 : vector<1x2000x48xf32> to vector<2000x48xf32>
    %add3A_24 = arith.addf %get3A_18, %get3A_23 : vector<2000x48xf32>
    %mul3A = vector.broadcast %div3A_13 : vector<2000x1xf32> to vector<2000x48xf32>
    %mul3A_25 = arith.mulf %add3A_24, %mul3A : vector<2000x48xf32>
    %get3A_26 = arith.constant 0 : index
    %get3A_27 = arith.constant 0 : index
    %get3A_28 = vector.load %arg6[%get3A_26, %get3A_27] : memref<1x48xf32, #tpu.memory_space<vmem>>, vector<1x48xf32>
    %add3A_29 = vector.broadcast %get3A_28 : vector<1x48xf32> to vector<2000x48xf32>
    %add3A_30 = arith.addf %mul3A_25, %add3A_29 : vector<2000x48xf32>
    %get3A_31 = arith.constant 0 : index
    %get3A_32 = arith.constant 0 : index
    %get3A_33 = vector.load %arg5[%get3A_31, %get3A_32] : memref<2000x48xf32, #tpu.memory_space<vmem>>, vector<2000x48xf32>
    %add3A_34 = arith.addf %add3A_30, %get3A_33 : vector<2000x48xf32>
    %iota3A = tpu.iota {dimensions = array<i32: 1>} : vector<2000x48xi32>
    %lt3A = arith.constant 40 : i32
    %lt3A_35 = vector.broadcast %lt3A : i32 to vector<2000x48xi32>
    %lt3A_36 = arith.cmpi slt, %iota3A, %lt3A_35 : vector<2000x48xi32>
    %jit3A = arith.constant 0xFF800000 : f32
    %broadcast_in_dim3A = vector.broadcast %jit3A : f32 to vector<2000x48xf32>
    %select_n3A = arith.select %lt3A_36, %add3A_34, %broadcast_in_dim3A : vector<2000x48xi1>, vector<2000x48xf32>
    %reduce_max3A = arith.constant dense<0xFF800000> : vector<2000xf32>
    %reduce_max3A_37 = vector.multi_reduction <maximumf>, %select_n3A, %reduce_max3A [1] : vector<2000x48xf32> to vector<2000xf32>
    %broadcast_in_dim3A_38 = vector.shape_cast %reduce_max3A_37 : vector<2000xf32> to vector<2000x1xf32>
    %sub3A = vector.broadcast %broadcast_in_dim3A_38 : vector<2000x1xf32> to vector<2000x48xf32>
    %sub3A_39 = arith.subf %add3A_34, %sub3A : vector<2000x48xf32>
    %exp3A = math.exp %sub3A_39 : vector<2000x48xf32>
    %jit3A_40 = arith.constant 0.000000e+00 : f32
    %broadcast_in_dim3A_41 = vector.broadcast %jit3A_40 : f32 to vector<2000x48xf32>
    %select_n3A_42 = arith.select %lt3A_36, %exp3A, %broadcast_in_dim3A_41 : vector<2000x48xi1>, vector<2000x48xf32>
    %reduce_sum3A = arith.constant dense<0.000000e+00> : vector<2000xf32>
    %reduce_sum3A_43 = vector.multi_reduction <add>, %select_n3A_42, %reduce_sum3A [1] : vector<2000x48xf32> to vector<2000xf32>
    %broadcast_in_dim3A_44 = vector.shape_cast %reduce_sum3A_43 : vector<2000xf32> to vector<2000x1xf32>
    %log3A = math.log %broadcast_in_dim3A_44 : vector<2000x1xf32>
    %sub3A_45 = vector.broadcast %broadcast_in_dim3A_38 : vector<2000x1xf32> to vector<2000x48xf32>
    %sub3A_46 = arith.subf %add3A_34, %sub3A_45 : vector<2000x48xf32>
    %sub3A_47 = vector.broadcast %log3A : vector<2000x1xf32> to vector<2000x48xf32>
    %sub3A_48 = arith.subf %sub3A_46, %sub3A_47 : vector<2000x48xf32>
    %slice3A_49 = vector.extract_strided_slice %sub3A_48 {offsets = [0, 0], sizes = [2000, 40], strides = [1, 1]} : vector<2000x48xf32> to vector<2000x40xf32>
    %swap3A = arith.constant 0 : index
    %swap3A_50 = arith.constant 0 : index
    %swap3A_51 = vector.load %arg7[%swap3A, %swap3A_50] : memref<2000x40xf32, #tpu.memory_space<vmem>>, vector<2000x40xf32>
    tpu.vector_store %arg7[%swap3A, %swap3A_50], %slice3A_49 {strides = array<i32>} : memref<2000x40xf32, #tpu.memory_space<vmem>>, vector<2000x40xf32>,
    return
  }
  func.func @transform_0(%arg0: i32) -> (i32, i32, i32) {
    %c0_i32 = arith.constant 0 : i32
    %c0_i32_0 = arith.constant 0 : i32
    %c0_i32_1 = arith.constant 0 : i32
    return %c0_i32, %arg0, %c0_i32_0 : i32, i32, i32
  }
  func.func @transform_1(%arg0: i32) -> (i32, i32, i32) {
    %c1_i32 = arith.constant 1 : i32
    %c0_i32 = arith.constant 0 : i32
    %c0_i32_0 = arith.constant 0 : i32
    return %c1_i32, %arg0, %c0_i32 : i32, i32, i32
  }
  func.func @transform_2(%arg0: i32) -> (i32, i32, i32) {
    %c0_i32 = arith.constant 0 : i32
    %c0_i32_0 = arith.constant 0 : i32
    %c0_i32_1 = arith.constant 0 : i32
    return %c0_i32, %arg0, %c0_i32_0 : i32, i32, i32
  }
  func.func @transform_3(%arg0: i32) -> (i32, i32, i32) {
    %c1_i32 = arith.constant 1 : i32
    %c0_i32 = arith.constant 0 : i32
    %c0_i32_0 = arith.constant 0 : i32
    return %c1_i32, %arg0, %c0_i32 : i32, i32, i32
  }
  func.func @transform_4(%arg0: i32) -> (i32, i32) {
    %c0_i32 = arith.constant 0 : i32
    %c0_i32_0 = arith.constant 0 : i32
    return %arg0, %c0_i32 : i32, i32
  }
  func.func @transform_5(%arg0: i32) -> (i32, i32) {
    %c0_i32 = arith.constant 0 : i32
    %c0_i32_0 = arith.constant 0 : i32
    %c0_i32_1 = arith.constant 0 : i32
    return %c0_i32, %c0_i32_0 : i32, i32
  }
  func.func @transform_6(%arg0: i32) -> (i32, i32) {
    %c0_i32 = arith.constant 0 : i32
    %c0_i32_0 = arith.constant 0 : i32
    return %arg0, %c0_i32 : i32, i32
  }
}

</mosaic_0001>

<sc_bundles>
// kernel: kernel.10.cloned.1.call-start
scs
__scs_entry_jumppad:
0x0: {  	(pc) =	sbr.rel $0x88, $3  }
0x1: {  	(tag) =	ssettag $0x0;
	lr =	simm.s32 $0x1  }
0x2: {  	[smem:$0x3F96] =	sst lr;
	_ =	strace $0xD0000000  }
0x3: {  	_ = 	snop  }
0x4: {  	_ = 	snop  }
0x5: {  	_ = 	snop  }
0x6: {  	_ = 	snop  }
0x7: {  	_ = 	snop  }
__scs_overlays_trampoline_lowered:
0x8: {  	[smem:$0x3FA5] =	sst s0  }
0x9: {  	[smem:$0x3FA6] =	sst s1  }
0xa: {  	[smem:$0x3FA7] =	sst s2  }
0xb: {  	[smem:$0x3FA8] =	sst s3  }
0xc: {  	[smem:$0x3FA9] =	sst s4  }
0xd: {  	[smem:$0x3FAA] =	sst s5  }
0xe: {  	[smem:$0x3FAB] =	sst s6  }
0xf: {  	[smem:$0x3FAC] =	sst s7  }
0x10: {  	[smem:$0x3FAD] =	sst s8  }
0x11: {  	[smem:$0x3FAE] =	sst s9;
	s0 =	simm.s32 @!p0 $0x0  }
0x12: {  	s1 =	sld [smem:$0x3F94];
	s0 =	simm.s32 @p0 $0x1  }
0x13: {  	[smem:$0x3FAF] =	sst s0;
	s0 =	simm.s32 @!p1 $0x0  }
0x14: {  	s2 =	sld [smem:$0x3F93];
	s0 =	simm.s32 @p1 $0x1  }
0x15: {  	[smem:$0x3FB0] =	sst s0;
	s0 =	simm.s32 @!p2 $0x0  }
0x16: {  	s3 =	sld [smem:$0x3FDB];
	s0 =	simm.s32 @p2 $0x1  }
0x17: {  	s4 =	simm.s32 $0x1BF5;
	[smem:$0x3FB2] =	sst s0  }
0x18: {  	s0 =	sld [smem:$0x3F95];
	_ =	swait.ge [sflag:s4], $0x0  }
0x19: {  	s7 =	sld [smem:$0x3F96]  }
0x1a: {  	s8 =	sadd.s32 $0xFFFFE003, lr  }
0x1b: {  	s9 =	sadd.s32 $0xFFFFFEF7, lr;
	s5 =	simm.s32 $0xFFFFFFFF;
	p2 =	slt.u32 s8, $0xFFFFF086  }
0x1c: {  	p1 =	slt.u32 s9, $0xF7A;
	s5 =	simm.s32 @!p2 $0x0  }
0x1d: {  	s5 =	simm.s32 @p1 $0x1;
	p0 =	seq.s32 s7, s2  }
0x1e: {  	s7 =	smul.u32 @!p0 $0xF7A, s2;
	p2 =	seq.s32 @!p0 s5, $0x0  }
0x1f: {  	s9 =	smul.u32 $0xF7A, s1;
	s8 =	simm.s32 @!p0 $0x1BF5;
	p2 =	por !p2, p0  }
0x20: {  	[sflag:s8] =	ssyncset.s32 @!p0 $0xFFFFF086;
	s6 =	sadd.s32 @!p0 s3, s7;
	s7 =	simm.s32 @!p0 $0x108  }
0x21: {  	s3 =	sadd.s32 s3, s9;
	s6 =	sadd.s32 @!p0 $0x88, s6;
	s7 =	simm.s32 @p2 $0x1082  }
0x22: {  	[simem:s7], [sflag:s8] =	dma.local @!p0 [hbm:s6], $0xF7A  }
0x23: {  	s9 =	sor.u32 $0xD0000000, s2;
	s6 =	simm.s32 $0x108;
	_ =	swait.ge @!p0 [sflag:s8], $0x0  }
0x24: {  	s3 =	sadd.s32 $0x88, s3;
	s6 =	simm.s32 @!p1 $0x1082;
	[sflag:s4] =	ssyncset.s32 $0xFFFFF086  }
0x25: {  	[simem:s6], [sflag:s4] =	dma.local [hbm:s3], $0xF7A  }
0x26: {  	[smem:$0x3F96] =	sst s1;
	(tag) =	ssettag s2;
	_ =	strace s9  }
0x27: {  	s1 =	sld [smem:$0x3FA6]  }
0x28: {  	s2 =	sld [smem:$0x3FA7]  }
0x29: {  	s4 =	sld [smem:$0x3FA9]  }
0x2a: {  	p0 =	seq.s32 s5, $0x0;
	s5 =	sld [smem:$0x3FAA]  }
0x2b: {  	s6 =	sld [smem:$0x3FAB]  }
0x2c: {  	s7 =	sld [smem:$0x3FAC]  }
0x2d: {  	s3 =	simm.s32 $0x108;
	s8 =	sld [smem:$0x3FAD]  }
0x2e: {  	s3 =	simm.s32 @!p0 $0x1082;
	s9 =	sld [smem:$0x3FAE]  }
0x2f: {  	lr =	sadd.s32 s0, s3;
	s0 =	sld [smem:$0x3FA5]  }
0x30: {  	s3 =	sld [smem:$0x3FA8]  }
0x31: {  	[smem:$0x3FB1] =	sst s10  }
0x32: {  	s10 =	sld [smem:$0x3FAF];
	_ =	sdelay $0x3  }
0x33: {  	p0 =	seq.s32 s10, $0x1;
	s10 =	sld [smem:$0x3FB1];
	_ =	sdelay $0x3  }
0x34: {  	[smem:$0x3FB1] =	sst s10  }
0x35: {  	s10 =	sld [smem:$0x3FB0];
	_ =	sdelay $0x3  }
0x36: {  	p1 =	seq.s32 s10, $0x1;
	s10 =	sld [smem:$0x3FB1];
	_ =	sdelay $0x3  }
0x37: {  	[smem:$0x3FB1] =	sst s10  }
0x38: {  	s10 =	sld [smem:$0x3FB2]  }
0x39: {  	_ = 	snop;
	(pc) =	sbr.ind lr, $3  }
0x3a: {  	_ = 	snop  }
0x3b: {  	_ = 	snop  }
0x3c: {  	p2 =	seq.s32 s10, $0x1;
	s10 =	sld [smem:$0x3FB1]  }
0x3d: {  	_ =	shalt  }
0x3e: {  	_ =	shalt  }
0x3f: {  	_ =	shalt  }
0x40: {  	_ =	shalt  }
0x41: {  	_ =	shalt  }
0x42: {  	_ =	shalt  }
0x43: {  	_ =	shalt  }
0x44: {  	_ =	shalt  }
0x45: {  	_ =	shalt  }
0x46: {  	_ =	shalt  }
0x47: {  	_ =	shalt  }
0x48: {  	_ =	shalt  }
0x49: {  	_ =	shalt  }
0x4a: {  	_ =	shalt  }
0x4b: {  	_ =	shalt  }
0x4c: {  	_ =	shalt  }
0x4d: {  	_ =	shalt  }
0x4e: {  	_ =	shalt  }
0x4f: {  	_ =	shalt  }
0x50: {  	_ =	shalt  }
0x51: {  	_ =	shalt  }
0x52: {  	_ =	shalt  }
0x53: {  	_ =	shalt  }
0x54: {  	_ =	shalt  }
0x55: {  	_ =	shalt  }
0x56: {  	_ =	shalt  }
0x57: {  	_ =	shalt  }
0x58: {  	_ =	shalt  }
0x59: {  	_ =	shalt  }
0x5a: {  	_ =	shalt  }
0x5b: {  	_ =	shalt  }
0x5c: {  	_ =	shalt  }
0x5d: {  	_ =	shalt  }
0x5e: {  	_ =	shalt  }
0x5f: {  	_ =	shalt  }
0x60: {  	_ =	shalt  }
0x61: {  	_ =	shalt  }
0x62: {  	_ =	shalt  }
0x63: {  	_ =	shalt  }
0x64: {  	_ =	shalt  }
0x65: {  	_ =	shalt  }
0x66: {  	_ =	shalt  }
0x67: {  	_ =	shalt  }
0x68: {  	_ =	shalt  }
0x69: {  	_ =	shalt  }
0x6a: {  	_ =	shalt  }
0x6b: {  	_ =	shalt  }
0x6c: {  	_ =	shalt  }
0x6d: {  	_ =	shalt  }
0x6e: {  	_ =	shalt  }
0x6f: {  	_ =	shalt  }
0x70: {  	_ =	shalt  }
0x71: {  	_ =	shalt  }
0x72: {  	_ =	shalt  }
0x73: {  	_ =	shalt  }
0x74: {  	_ =	shalt  }
0x75: {  	_ =	shalt  }
0x76: {  	_ =	shalt  }
0x77: {  	_ =	shalt  }
0x78: {  	_ =	shalt  }
0x79: {  	_ =	shalt  }
0x7a: {  	_ =	shalt  }
0x7b: {  	_ =	shalt  }
0x7c: {  	_ =	shalt  }
0x7d: {  	_ =	shalt  }
0x7e: {  	_ =	shalt  }
0x7f: {  	_ =	shalt  }
0x80: {  	_ =	shalt  }
0x81: {  	_ =	shalt  }
0x82: {  	_ =	shalt  }
0x83: {  	_ =	shalt  }
0x84: {  	_ =	shalt  }
0x85: {  	_ =	shalt  }
0x86: {  	_ =	shalt  }
0x87: {  	_ =	shalt  }
.Lfunc_end0:
.L_simem_size_0:
called_computation_lowered:
.L_overlay_start_0:
0x88: {  	s2 =	sld [smem:$0x3FD9]  }
0x89: {  	s3 =	sld [smem:$0x3FFE];
	_ =	sdelay $0x1  }
0x8a: {  	s1 =	srdreg.scid  }
0x8b: {  	s0 =	sand.u32 $0x1, s1  }
0x8c: {  	s14 =	sshll.u32 s0, $0xA;
	s2 =	sadd.s32 s3, s2  }
0x8d: {  	s2 =	sadd.s32 s2, s14  }
0x8e: {  	[smem:$0x3FBD] =	sst s2  }
0x8f: {  	_ = 	snop  }
0x90: {  	s2 =	sld [smem:$0x3FD0];
	_ =	sdelay $0x2  }
0x91: {  	s15 =	simm.s32 $0xB;
	s4 =	simm.s32 $0x10  }
0x92: {  	[smem:s4], [sflag:s15] =	dma.local [hbm:s2], $0x1  }
0x93: {  	_ =	swait.eq [sflag:s15], $0x1  }
0x94: {  	[sflag:s15] =	ssyncset.done $0x0  }
0x95: {  	[sflag:s15] =	ssyncadd.s32 $0xFFFFFFFF  }
0x96: {  	s16 =	sld [smem:$0x10];
	(tm) =	ssettm $0x1  }
0x97: {  	s17 =	sld [smem:$0x3FFB];
	_ =	sdelay $0x3  }
0x98: {  	_ =	strace s17  }
0x99: {  	s3 =	sld [smem:$0x3FFC];
	_ =	sdelay $0x3  }
0x9a: {  	_ =	strace s3  }
0x9b: {  	s3 =	sld [smem:$0x3FFD];
	_ =	sdelay $0x3  }
0x9c: {  	_ =	strace s3  }
0x9d: {  	_ =	strace $0x8FFFFFFF  }
0x9e: {  	s18 =	sld [smem:$0x3FDB];
	_ =	sdelay $0x1  }
0x9f: {  	s19 =	simm.s32 $_scs_section_size  }
0xa0: {  	s5 =	simm.s32 $_size__tile_overlayer_lowered;
	s6 =	simm.s32 $_tile_overlayer_lowered  }
0xa1: {  	s22 =	simm.s32 $0x1BFF;
	s21 =	sshll.u32 s6, $0x1;
	s3 =	sadd.s32 s19, s18  }
0xa2: {  	s7 =	simm.s32 $0x0;
	s20 =	sshll.u32 s5, $0x1;
	s5 =	sadd.s32 s21, s3  }
0xa3: {  	[timem:s7], [sflag:s22] =	dma.local [hbm:s5], s20  }
0xa4: {  	_ =	swait.ge [sflag:s22], s20  }
0xa5: {  	s4 =	ssub.s32 $0x0, s20;
	[sflag:s22] =	ssyncset.done $0x0  }
0xa6: {  	[sflag:s22] =	ssyncadd.s32 s4;
	_ =	sdelay $0x1  }
0xa7: {  	s23 =	simm.s32 $0x1B8B  }
0xa8: {  	_ =	swait.ge [sflag:s23], $0x1  }
0xa9: {  	[sflag:s23] =	ssyncset.done $0x0  }
0xaa: {  	s25 =	simm.s32 $0x1B8E;
	s24 =	sld [smem:$0x3FFE];
	[sflag:s23] =	ssyncadd.s32 $0xFFFFFFFF  }
0xab: {  	s26 =	simm.s32 $execute0_lowered;
	[smem:$0x3FD2] =	sst s25  }
0xac: {  	s5 =	sshll.u32 s26, $0x1;
	_ =	strace $0x80000046;
	[dreg:$0x1] =	wrdreg $0xFFFFFFFF  }
0xad: {  	s28 =	simm.s32 $_size_execute0_lowered;
	s3 =	sadd.s32 s3, s5;
	[dreg:$0x0] =	wrdreg $0x0  }
0xae: {  	s5 =	sshll.u32 s28, $0x1;
	[dreg:$0x2] =	wrdreg s3  }
0xaf: {  	[dreg:$0x3] =	wrdreg s5  }
0xb0: {  	[dreg:$0x4] =	wrdreg $0xC0  }
0xb1: {  	_ =	task [dreg:s7], $0x5FFFF  }
0xb2: {  	[dreg:$0x1] =	wrdreg $0xFFFFFFFF  }
0xb3: {  	[dreg:$0x0] =	wrdreg $0x60  }
0xb4: {  	[dreg:$0x2] =	wrdreg s24  }
0xb5: {  	[dreg:$0x3] =	wrdreg s16  }
0xb6: {  	[dreg:$0x4] =	wrdreg $0x30000  }
0xb7: {  	[dreg:$0x5] =	wrdreg $0x9  }
0xb8: {  	_ =	task.clear_ibuf [dreg:s7], $0x6FFFF;
	_ =	strace $0x90000046  }
0xb9: {  	s29 =	simm.s32 $0x9;
	_ =	strace $0x80000048  }
0xba: {  	_ =	swait.ge [sflag:s29], $0x1  }
0xbb: {  	[sflag:s29] =	ssyncadd.s32 $0xFFFFFFFF  }
0xbc: {  	_ =	strace $0x90000048  }
0xbd: {  	_ =	sfence  }
0xbe: {  	s30 =	sld [smem:$0x0];
	_ =	sdelay $0x2  }
0xbf: {  	s31 =	sshll.u32 s1, $0xD;
	s1 =	sshrl.u32 s1, $0x2  }
0xc0: {  	s3 =	sand.u32 $0x4000, s31;
	s1 =	sadd.s32 s1, s30  }
0xc1: {  	s0 =	sor.u32 s3, s0;
	s1 =	sshll.u32 s1, $0x11  }
0xc2: {  	s0 =	sor.u32 s1, s0  }
0xc3: {  	s0 =	sadd.s32 $0x8F2B, s0  }
0xc4: {  	[sflag:s0] =	ssyncadd.remote.s32 $0x1  }
0xc5: {  	_ =	sfence.sel $0xFFFF  }
0xc6: {  	[dreg:$0x0] =	wrdreg $0xFFFFFFFF;
	(pc) =	sbr.abs _section_cstart, $3  }
0xc7: {  	[dreg:$0x1] =	wrdreg $0xFFFFFFFF  }
0xc8: {  	_ =	task.clear_ibuf [dreg:s7], $0x2FFFF;
	_ =	strace $0x9FFFFFFF  }
0xc9: {  	(tm) =	ssettm $0x7FFFFFFF  }
tec
execute0_lowered:
.L_overlay_start_1:
0x0: {  	(tag) =	ssettag $0x1  }
0x1: {  	s8 =	rddreg [dreg:$0x0]  }
0x2: {  	s9 =	rddreg [dreg:$0x1]  }
0x3: {  	s2 =	rddreg [dreg:$0x2]  }
0x4: {  	s0 =	rddreg [dreg:$0x3]  }
0x5: {  	s3 =	simm.s32 $0x0;
	s1 =	stileid.u32;
	s5 =	srdreg.scid  }
0x6: {  	[smem:$0x7FF] =	sst s3;
	s6 =	smul.u32 $0x4C, s1;
	s4 =	sadd.s32 $0x17800, s8  }
0x7: {  	s7 =	sand.u32 $0x1, s5;
	s28 =	smin.u32 s1, $0x4;
	s11 =	smul.u32 $0x50, s1  }
0x8: {  	p1 =	slt.u32 s1, $0x4;
	s30 =	smul.u32 $0x2780, s1;
	s13 =	sshll.u32 s1, $0x6  }
0x9: {  	s31 =	sadd.s32 $0xD540, s8;
	_ =	strace $0x80000047;
	s10 =	ssub.s32 $0x2, s7  }
0xa: {  	p0 =	seq.s32 s7, $0x0;
	s14 =	smul.u32 $0x4F00, s7;
	s7 =	sor.u32 $0x1C01, s13  }
0xb: {  	s13 =	simm.s32 $0x80;
	s5 =	sadd.s32 s28, s6;
	s29 =	sshrl.u32 s10, $0x1  }
0xc: {  	s6 =	simm.s32 $0x4D;
	s15 =	sadd.s32 s30, s2;
	s16 =	sshrl.u32 s30, $0x3  }
0xd: {  	s12 =	sadd.s32 $0x500, s5;
	s5 =	sadd.s32 $0x17E00, s8;
	s10 =	ssub.s32 s10, s29  }
0xe: {  	s6 =	simm.s32 @!p1 $0x4C;
	s14 =	sadd.s32 s9, s14;
	s9 =	sshrl.u32 s15, $0x3  }
0xf: {  	s15 =	simm.s32 $0x0;
	s12 =	smov.u32 @p0 s11;
	s6 =	simm.s32 @p0 $0x50  }
0x10: {  	s8 =	smax.u32 s10, $0x1;
	s10 =	simm.s32 $0x1;
	s12 =	sshll.u32 s12, $0x4  }
0x11: {  	s11 =	simm.s32 $0x2800;
	s14 =	sadd.s32 s16, s14;
	s12 =	sadd.s32 s12, s31  }
.LBB2_1:
0x12: {  	[spmem:s9], [sflag:s7] =	dma.local [hbm:s4], $0x4F0  }
0x13: {  	_ =	swait.ge [sflag:s10], $0x4F0  }
0x14: {  	[sflag:s10] =	ssyncset.done $0x0  }
0x15: {  	[sflag:s10] =	ssyncadd.s32 $0xFFFFFB10  }
0x16: {  	[tilespmem:s11], [sflag:$0x1] =	stream.linear.gather [hbm4b:s5+s3], $0x800, $0x38;
	[tilespmem:$0x5780] =	vst v63  }
0x17: {  	_ =	swait.ge [sflag:s10], $0x800  }
0x18: {  	[sflag:s10] =	ssyncset.done $0x0  }
0x19: {  	[sflag:s10] =	ssyncadd.s32 $0xFFFFF800  }
0x1a: {  	[tilespmem:s3], [sflag:$0x1] =	stream.linear.gather [hbm4b:s12+s3], $0x2800, $0x38;
	[tilespmem:$0x5780] =	vst v63  }
0x1b: {  	_ =	swait.ge [sflag:s10], $0x2800  }
0x1c: {  	p0 =	sne.s32 s6, $0x1;
	[sflag:s10] =	ssyncset.done $0x0  }
.Ltmp0:
0x1d: {  	[sflag:s10] =	ssyncadd.s32 $0xFFFFD800;
	(pc) =	sbr.rel @!p0 .LBB2_3-.Ltmp0, $4  }
0x1e: {  	[bflag:$0x0] =	sbarrier.arrive $0xFFFF  }
0x1f: {  	[spmem:s2] =	stream.indirect.scatter.add.f32 [tilespmem:s11], [sflag:$0x1], $0x10, s3, s13, $0xb8;
	[tilespmem:$0x5780] =	vst v63  }
0x20: {  	_ =	swait.ge [sflag:s10], $0x800  }
0x21: {  	s16 =	sadd.s32 $0xFFFFFFFF, s6;
	s17 =	simm.s32 $0x0;
	[sflag:s10] =	ssyncset.done $0x0  }
.LBB2_2:
0x22: {  	p0 =	sne.s32 s16, $0x1;
	[sflag:s10] =	ssyncadd.s32 $0xFFFFF800;
	s17 =	sadd.s32 $0x80, s17  }
.Ltmp1:
0x23: {  	s16 =	sadd.s32 $0xFFFFFFFF, s16;
	(pc) =	sbr.rel @p0 .LBB2_2-.Ltmp1, $4  }
0x24: {  	_ = 	snop  }
0x25: {  	[spmem:s2] =	stream.indirect.scatter.add.f32 [tilespmem:s11], [sflag:$0x1], $0x10, s17, s13, $0xb8;
	[tilespmem:$0x5780] =	vst v63  }
0x26: {  	_ =	swait.ge [sflag:s10], $0x800  }
0x27: {  	[sflag:s10] =	ssyncset.done $0x0  }
.LBB2_3:
0x28: {  	s15 =	sadd.s32 $0x1, s15  }
0x29: {  	[sflag:s10] =	ssyncadd.s32 $0xFFFFF800;
	p0 =	sne.s32 s15, s8  }
.Ltmp2:
0x2a: {  	[bflag:$0x0] =	sbarrier.arrive $0xFFFF;
	(pc) =	sbr.rel @p0 .LBB2_1-.Ltmp2, $4  }
0x2b: {  	[hbm:s14], [sflag:s7] =	dma.local [spmem:s9], $0x4F0  }
0x2c: {  	_ =	swait.ge [sflag:s10], $0x4F0  }
0x2d: {  	[sflag:s10] =	ssyncset.done $0x0  }
0x2e: {  	[sflag:s10] =	ssyncadd.s32 $0xFFFFFB10  }
0x2f: {  	_ =	sfence.sel $0x180000  }
0x30: {  	[bflag:$0x0] =	sbarrier.arrive $0xFFFF  }
0x31: {  	p0 =	sne.s32 s1, $0x0;
	_ =	strace $0x90000047  }
0x32: {  	s0 =	sadd.s32 @!p0 $0x100000, s0;
	[bflag:$0x2] =	sbarrier.arrive $0xFFFF  }
0x33: {  	[sflag:s0] =	ssyncadd.tile.s32 @!p0 $0x1;
	_ =	shalt  }
.Lfunc_end2:
_tile_overlayer_lowered:
.L_overlay_start_2:
0x34: {  	(tag) =	ssettag $0x2  }
0x35: {  	s0 =	rddreg [dreg:$0x0];
	s2 =	stileid.u32  }
0x36: {  	s1 =	rddreg [dreg:$0x1];
	p0 =	sne.s32 s2, $0x0  }
0x37: {  	s3 =	rddreg [dreg:$0x2];
	[bflag:$0x3] =	sbarrier.arrive $0xFFFF;
	s2 =	simm.s32 @!p0 $0x1C01  }
0x38: {  	[timem:s3], [sflag:s2] =	dma.local @!p0 [hbm:s0], s1  }
0x39: {  	s0 =	simm.s32 @!p0 $0x1  }
0x3a: {  	_ =	swait.ge @!p0 [sflag:s0], s1  }
0x3b: {  	s1 =	ssub.s32 @!p0 $0x0, s1;
	[sflag:s0] =	ssyncset.done @!p0 $0x0  }
0x3c: {  	[sflag:s0] =	ssyncadd.s32 @!p0 s1  }
0x3d: {  	[bflag:$0x3] =	sbarrier.arrive $0xFFFF  }
0x3e: {  	_ =	shalt  }

// kernel: kernel.13.cloned.1.call-start
scs
__scs_entry_jumppad:
0x0: {  	(pc) =	sbr.rel $0x88, $3  }
0x1: {  	(tag) =	ssettag $0x0;
	lr =	simm.s32 $0x1  }
0x2: {  	[smem:$0x3F96] =	sst lr;
	_ =	strace $0xD0000000  }
0x3: {  	_ = 	snop  }
0x4: {  	_ = 	snop  }
0x5: {  	_ = 	snop  }
0x6: {  	_ = 	snop  }
0x7: {  	_ = 	snop  }
__scs_overlays_trampoline_lowered:
0x8: {  	[smem:$0x3FA5] =	sst s0  }
0x9: {  	[smem:$0x3FA6] =	sst s1  }
0xa: {  	[smem:$0x3FA7] =	sst s2  }
0xb: {  	[smem:$0x3FA8] =	sst s3  }
0xc: {  	[smem:$0x3FA9] =	sst s4  }
0xd: {  	[smem:$0x3FAA] =	sst s5  }
0xe: {  	[smem:$0x3FAB] =	sst s6  }
0xf: {  	[smem:$0x3FAC] =	sst s7  }
0x10: {  	[smem:$0x3FAD] =	sst s8  }
0x11: {  	[smem:$0x3FAE] =	sst s9;
	s0 =	simm.s32 @!p0 $0x0  }
0x12: {  	s1 =	sld [smem:$0x3F94];
	s0 =	simm.s32 @p0 $0x1  }
0x13: {  	[smem:$0x3FAF] =	sst s0;
	s0 =	simm.s32 @!p1 $0x0  }
0x14: {  	s2 =	sld [smem:$0x3F93];
	s0 =	simm.s32 @p1 $0x1  }
0x15: {  	[smem:$0x3FB0] =	sst s0;
	s0 =	simm.s32 @!p2 $0x0  }
0x16: {  	s3 =	sld [smem:$0x3FDB];
	s0 =	simm.s32 @p2 $0x1  }
0x17: {  	s4 =	simm.s32 $0x1BF5;
	[smem:$0x3FB2] =	sst s0  }
0x18: {  	s0 =	sld [smem:$0x3F95];
	_ =	swait.ge [sflag:s4], $0x0  }
0x19: {  	s7 =	sld [smem:$0x3F96]  }
0x1a: {  	s8 =	sadd.s32 $0xFFFFE003, lr  }
0x1b: {  	s9 =	sadd.s32 $0xFFFFFEF7, lr;
	s5 =	simm.s32 $0xFFFFFFFF;
	p2 =	slt.u32 s8, $0xFFFFF086  }
0x1c: {  	p1 =	slt.u32 s9, $0xF7A;
	s5 =	simm.s32 @!p2 $0x0  }
0x1d: {  	s5 =	simm.s32 @p1 $0x1;
	p0 =	seq.s32 s7, s2  }
0x1e: {  	s7 =	smul.u32 @!p0 $0xF7A, s2;
	p2 =	seq.s32 @!p0 s5, $0x0  }
0x1f: {  	s9 =	smul.u32 $0xF7A, s1;
	s8 =	simm.s32 @!p0 $0x1BF5;
	p2 =	por !p2, p0  }
0x20: {  	[sflag:s8] =	ssyncset.s32 @!p0 $0xFFFFF086;
	s6 =	sadd.s32 @!p0 s3, s7;
	s7 =	simm.s32 @!p0 $0x108  }
0x21: {  	s3 =	sadd.s32 s3, s9;
	s6 =	sadd.s32 @!p0 $0x88, s6;
	s7 =	simm.s32 @p2 $0x1082  }
0x22: {  	[simem:s7], [sflag:s8] =	dma.local @!p0 [hbm:s6], $0xF7A  }
0x23: {  	s9 =	sor.u32 $0xD0000000, s2;
	s6 =	simm.s32 $0x108;
	_ =	swait.ge @!p0 [sflag:s8], $0x0  }
0x24: {  	s3 =	sadd.s32 $0x88, s3;
	s6 =	simm.s32 @!p1 $0x1082;
	[sflag:s4] =	ssyncset.s32 $0xFFFFF086  }
0x25: {  	[simem:s6], [sflag:s4] =	dma.local [hbm:s3], $0xF7A  }
0x26: {  	[smem:$0x3F96] =	sst s1;
	(tag) =	ssettag s2;
	_ =	strace s9  }
0x27: {  	s1 =	sld [smem:$0x3FA6]  }
0x28: {  	s2 =	sld [smem:$0x3FA7]  }
0x29: {  	s4 =	sld [smem:$0x3FA9]  }
0x2a: {  	p0 =	seq.s32 s5, $0x0;
	s5 =	sld [smem:$0x3FAA]  }
0x2b: {  	s6 =	sld [smem:$0x3FAB]  }
0x2c: {  	s7 =	sld [smem:$0x3FAC]  }
0x2d: {  	s3 =	simm.s32 $0x108;
	s8 =	sld [smem:$0x3FAD]  }
0x2e: {  	s3 =	simm.s32 @!p0 $0x1082;
	s9 =	sld [smem:$0x3FAE]  }
0x2f: {  	lr =	sadd.s32 s0, s3;
	s0 =	sld [smem:$0x3FA5]  }
0x30: {  	s3 =	sld [smem:$0x3FA8]  }
0x31: {  	[smem:$0x3FB1] =	sst s10  }
0x32: {  	s10 =	sld [smem:$0x3FAF];
	_ =	sdelay $0x3  }
0x33: {  	p0 =	seq.s32 s10, $0x1;
	s10 =	sld [smem:$0x3FB1];
	_ =	sdelay $0x3  }
0x34: {  	[smem:$0x3FB1] =	sst s10  }
0x35: {  	s10 =	sld [smem:$0x3FB0];
	_ =	sdelay $0x3  }
0x36: {  	p1 =	seq.s32 s10, $0x1;
	s10 =	sld [smem:$0x3FB1];
	_ =	sdelay $0x3  }
0x37: {  	[smem:$0x3FB1] =	sst s10  }
0x38: {  	s10 =	sld [smem:$0x3FB2]  }
0x39: {  	_ = 	snop;
	(pc) =	sbr.ind lr, $3  }
0x3a: {  	_ = 	snop  }
0x3b: {  	_ = 	snop  }
0x3c: {  	p2 =	seq.s32 s10, $0x1;
	s10 =	sld [smem:$0x3FB1]  }
0x3d: {  	_ =	shalt  }
0x3e: {  	_ =	shalt  }
0x3f: {  	_ =	shalt  }
0x40: {  	_ =	shalt  }
0x41: {  	_ =	shalt  }
0x42: {  	_ =	shalt  }
0x43: {  	_ =	shalt  }
0x44: {  	_ =	shalt  }
0x45: {  	_ =	shalt  }
0x46: {  	_ =	shalt  }
0x47: {  	_ =	shalt  }
0x48: {  	_ =	shalt  }
0x49: {  	_ =	shalt  }
0x4a: {  	_ =	shalt  }
0x4b: {  	_ =	shalt  }
0x4c: {  	_ =	shalt  }
0x4d: {  	_ =	shalt  }
0x4e: {  	_ =	shalt  }
0x4f: {  	_ =	shalt  }
0x50: {  	_ =	shalt  }
0x51: {  	_ =	shalt  }
0x52: {  	_ =	shalt  }
0x53: {  	_ =	shalt  }
0x54: {  	_ =	shalt  }
0x55: {  	_ =	shalt  }
0x56: {  	_ =	shalt  }
0x57: {  	_ =	shalt  }
0x58: {  	_ =	shalt  }
0x59: {  	_ =	shalt  }
0x5a: {  	_ =	shalt  }
0x5b: {  	_ =	shalt  }
0x5c: {  	_ =	shalt  }
0x5d: {  	_ =	shalt  }
0x5e: {  	_ =	shalt  }
0x5f: {  	_ =	shalt  }
0x60: {  	_ =	shalt  }
0x61: {  	_ =	shalt  }
0x62: {  	_ =	shalt  }
0x63: {  	_ =	shalt  }
0x64: {  	_ =	shalt  }
0x65: {  	_ =	shalt  }
0x66: {  	_ =	shalt  }
0x67: {  	_ =	shalt  }
0x68: {  	_ =	shalt  }
0x69: {  	_ =	shalt  }
0x6a: {  	_ =	shalt  }
0x6b: {  	_ =	shalt  }
0x6c: {  	_ =	shalt  }
0x6d: {  	_ =	shalt  }
0x6e: {  	_ =	shalt  }
0x6f: {  	_ =	shalt  }
0x70: {  	_ =	shalt  }
0x71: {  	_ =	shalt  }
0x72: {  	_ =	shalt  }
0x73: {  	_ =	shalt  }
0x74: {  	_ =	shalt  }
0x75: {  	_ =	shalt  }
0x76: {  	_ =	shalt  }
0x77: {  	_ =	shalt  }
0x78: {  	_ =	shalt  }
0x79: {  	_ =	shalt  }
0x7a: {  	_ =	shalt  }
0x7b: {  	_ =	shalt  }
0x7c: {  	_ =	shalt  }
0x7d: {  	_ =	shalt  }
0x7e: {  	_ =	shalt  }
0x7f: {  	_ =	shalt  }
0x80: {  	_ =	shalt  }
0x81: {  	_ =	shalt  }
0x82: {  	_ =	shalt  }
0x83: {  	_ =	shalt  }
0x84: {  	_ =	shalt  }
0x85: {  	_ =	shalt  }
0x86: {  	_ =	shalt  }
0x87: {  	_ =	shalt  }
.Lfunc_end0:
.L_simem_size_0:
called_computation.1_lowered:
.L_overlay_start_0:
0x88: {  	s2 =	sld [smem:$0x3FD9]  }
0x89: {  	s3 =	sld [smem:$0x3FFE];
	_ =	sdelay $0x1  }
0x8a: {  	s1 =	srdreg.scid  }
0x8b: {  	s0 =	sand.u32 $0x1, s1  }
0x8c: {  	s15 =	sshll.u32 s0, $0xA;
	s2 =	sadd.s32 s3, s2  }
0x8d: {  	s2 =	sadd.s32 s2, s15  }
0x8e: {  	[smem:$0x3FBD] =	sst s2  }
0x8f: {  	_ = 	snop  }
0x90: {  	s2 =	sld [smem:$0x3FD0];
	_ =	sdelay $0x2  }
0x91: {  	s16 =	simm.s32 $0xB;
	s4 =	simm.s32 $0x10  }
0x92: {  	[smem:s4], [sflag:s16] =	dma.local [hbm:s2], $0x1  }
0x93: {  	_ =	swait.eq [sflag:s16], $0x1  }
0x94: {  	[sflag:s16] =	ssyncset.done $0x0  }
0x95: {  	[sflag:s16] =	ssyncadd.s32 $0xFFFFFFFF  }
0x96: {  	s17 =	sld [smem:$0x11];
	(tm) =	ssettm $0x1  }
0x97: {  	s18 =	sld [smem:$0x3FFB];
	_ =	sdelay $0x3  }
0x98: {  	_ =	strace s18  }
0x99: {  	s2 =	sld [smem:$0x3FFC];
	_ =	sdelay $0x3  }
0x9a: {  	_ =	strace s2  }
0x9b: {  	s2 =	sld [smem:$0x3FFD];
	_ =	sdelay $0x3  }
0x9c: {  	_ =	strace s2  }
0x9d: {  	_ =	strace $0x8FFFFFFF  }
0x9e: {  	s19 =	sld [smem:$0x3FDB];
	_ =	sdelay $0x1  }
0x9f: {  	s20 =	simm.s32 $_scs_section_size  }
0xa0: {  	s5 =	simm.s32 $_size__tile_overlayer_lowered;
	s6 =	simm.s32 $_tile_overlayer_lowered  }
0xa1: {  	s7 =	simm.s32 $0x1BFF;
	s21 =	sshll.u32 s6, $0x1;
	s4 =	sadd.s32 s20, s19  }
0xa2: {  	s22 =	simm.s32 $0x0;
	s5 =	sshll.u32 s5, $0x1;
	s6 =	sadd.s32 s21, s4  }
0xa3: {  	[timem:s22], [sflag:s7] =	dma.local [hbm:s6], s5  }
0xa4: {  	_ =	swait.ge [sflag:s7], s5  }
0xa5: {  	s5 =	ssub.s32 $0x0, s5;
	[sflag:s7] =	ssyncset.done $0x0  }
0xa6: {  	[sflag:s7] =	ssyncadd.s32 s5;
	_ =	sdelay $0x1  }
0xa7: {  	s23 =	simm.s32 $0x1B8B  }
0xa8: {  	_ =	swait.ge [sflag:s23], $0x1  }
0xa9: {  	[sflag:s23] =	ssyncset.done $0x0  }
0xaa: {  	[sflag:s23] =	ssyncadd.s32 $0xFFFFFFFF  }
0xab: {  	s5 =	sld [smem:$0x0]  }
0xac: {  	s6 =	sand.u32 $0xFFFFFFFE, s1  }
0xad: {  	p0 =	sne.s32 s1, s6  }
0xae: {  	s6 =	sshll.u32 @p0 s6, $0xE  }
0xaf: {  	s6 =	sadd.s32 @p0 $0x11B8D, s6;
	s7 =	sshll.u32 @p0 s5, $0x11  }
0xb0: {  	s6 =	sor.u32 @p0 s7, s6  }
0xb1: {  	[sflag:s6] =	ssyncadd.remote.s32 @p0 $0x1;
	_ =	sdelay $0x1  }
0xb2: {  	s6 =	simm.s32 @p0 $0x1B8D  }
0xb3: {  	_ =	swait.eq @p0 [sflag:s6], $0x1  }
0xb4: {  	[sflag:s6] =	ssyncadd.s32 @p0 $0xFFFFFFFF  }
0xb5: {  	s7 =	sshll.u32 @!p0 s1, $0xE  }
0xb6: {  	s7 =	sor.u32 @!p0 $0x4000, s7;
	s6 =	simm.s32 @!p0 $0x1B8D  }
0xb7: {  	s5 =	sshll.u32 @!p0 s5, $0x11;
	s7 =	sadd.s32 @!p0 $0x11B8D, s7;
	_ =	swait.eq @!p0 [sflag:s6], $0x1  }
0xb8: {  	s5 =	sor.u32 @!p0 s5, s7;
	[sflag:s6] =	ssyncadd.s32 @!p0 $0xFFFFFFFF  }
0xb9: {  	s25 =	simm.s32 $0x1B8E;
	s24 =	sld [smem:$0x3FFE];
	[sflag:s5] =	ssyncadd.remote.s32 @!p0 $0x1  }
0xba: {  	s26 =	simm.s32 $execute0_lowered;
	[smem:$0x3FD2] =	sst s25  }
0xbb: {  	s6 =	sshll.u32 s26, $0x1;
	_ =	strace $0x80000049;
	[dreg:$0x1] =	wrdreg $0xFFFFFFFF  }
0xbc: {  	s28 =	simm.s32 $_size_execute0_lowered;
	s4 =	sadd.s32 s4, s6;
	[dreg:$0x0] =	wrdreg $0x0  }
0xbd: {  	s6 =	sshll.u32 s28, $0x1;
	[dreg:$0x2] =	wrdreg s4  }
0xbe: {  	[dreg:$0x3] =	wrdreg s6  }
0xbf: {  	[dreg:$0x4] =	wrdreg $0xC0  }
0xc0: {  	_ =	task [dreg:s22], $0x5FFFF  }
0xc1: {  	[dreg:$0x1] =	wrdreg $0xFFFFFFFF  }
0xc2: {  	[dreg:$0x0] =	wrdreg $0x60  }
0xc3: {  	[dreg:$0x2] =	wrdreg s17  }
0xc4: {  	[dreg:$0x3] =	wrdreg s24  }
0xc5: {  	[dreg:$0x4] =	wrdreg $0x90000  }
0xc6: {  	[dreg:$0x5] =	wrdreg $0xA  }
0xc7: {  	_ =	task.clear_ibuf [dreg:s22], $0x6FFFF;
	_ =	strace $0x90000049  }
0xc8: {  	s29 =	simm.s32 $0xA;
	_ =	strace $0x8000004B  }
0xc9: {  	_ =	swait.ge [sflag:s29], $0x1  }
0xca: {  	[sflag:s29] =	ssyncadd.s32 $0xFFFFFFFF  }
0xcb: {  	_ =	strace $0x9000004B  }
0xcc: {  	_ =	sfence  }
0xcd: {  	s30 =	sld [smem:$0x0];
	_ =	sdelay $0x2  }
0xce: {  	s31 =	sshll.u32 s1, $0xD;
	s1 =	sshrl.u32 s1, $0x2  }
0xcf: {  	s4 =	sand.u32 $0x4000, s31;
	s1 =	sadd.s32 s1, s30  }
0xd0: {  	s0 =	sor.u32 s4, s0;
	s1 =	sshll.u32 s1, $0x11  }
0xd1: {  	s0 =	sor.u32 s1, s0  }
0xd2: {  	s0 =	sadd.s32 $0x8F2B, s0  }
0xd3: {  	[sflag:s0] =	ssyncadd.remote.s32 $0x1  }
0xd4: {  	_ =	sfence.sel $0xFFFF  }
0xd5: {  	[dreg:$0x0] =	wrdreg $0xFFFFFFFF;
	(pc) =	sbr.abs _section_cstart, $3  }
0xd6: {  	[dreg:$0x1] =	wrdreg $0xFFFFFFFF  }
0xd7: {  	_ =	task.clear_ibuf [dreg:s22], $0x2FFFF;
	_ =	strace $0x9FFFFFFF  }
0xd8: {  	(tm) =	ssettm $0x7FFFFFFF  }
0xd9: {  	_ =	shalt  }
tec
execute0_lowered:
.L_overlay_start_1:
0x0: {  	(tag) =	ssettag $0x1  }
0x1: {  	s2 =	rddreg [dreg:$0x0]  }
0x2: {  	s9 =	rddreg [dreg:$0x1]  }
0x3: {  	s3 =	rddreg [dreg:$0x2];
	s1 =	stileid.u32  }
0x4: {  	s0 =	rddreg [dreg:$0x3];
	s4 =	simm.s32 $0x0;
	s6 =	srdreg.scid  }
0x5: {  	s5 =	smul.u32 $0x4C, s1;
	s7 =	smin.u32 s1, $0x4;
	s6 =	sand.u32 $0x1, s6  }
0x6: {  	s8 =	smul.u32 $0x50, s1;
	[smem:$0x7FF] =	sst s4;
	p1 =	slt.u32 s1, $0x4  }
0x7: {  	s13 =	smul.u32 $0x13C00, s1;
	s31 =	sshll.u32 s1, $0x6;
	s15 =	sadd.s32 $0xD540, s9  }
0x8: {  	p0 =	seq.s32 s6, $0x0;
	s28 =	smul.u32 $0x27800, s6;
	_ =	strace $0x8000004A  }
0x9: {  	s30 =	ssub.s32 $0x2, s6;
	s6 =	simm.s32 $0x4D;
	s5 =	sadd.s32 s7, s5  }
0xa: {  	s11 =	sshrl.u32 s30, $0x1;
	s6 =	simm.s32 @!p1 $0x4C;
	s14 =	sadd.s32 s13, s3  }
0xb: {  	s7 =	sor.u32 $0x1C02, s31;
	s17 =	sshrl.u32 s13, $0x3;
	s13 =	simm.s32 $0x80  }
0xc: {  	s5 =	sadd.s32 $0x500, s5;
	s10 =	sadd.s32 s28, s9;
	s11 =	ssub.s32 s30, s11  }
0xd: {  	s6 =	simm.s32 @p0 $0x50;
	s5 =	smov.u32 @p0 s8;
	s16 =	sadd.s32 $0x1A800, s10  }
0xe: {  	s10 =	sshrl.u32 s14, $0x3;
	s14 =	simm.s32 $0x5000;
	s12 =	sshll.u32 s5, $0x4  }
0xf: {  	s5 =	sadd.s32 $0x18000, s9;
	s16 =	sadd.s32 s17, s16;
	s17 =	simm.s32 $0x0  }
0x10: {  	s29 =	sadd.s32 s12, s9;
	s9 =	smax.u32 s11, $0x1;
	s11 =	simm.s32 $0x2  }
0x11: {  	s12 =	sadd.s32 s12, s15;
	s15 =	simm.s32 $0x1;
	s8 =	sadd.s32 $0x3400, s29  }
.LBB2_1:
0x12: {  	[spmem:s10], [sflag:s7] =	dma.local [hbm:s5], $0x2780  }
0x13: {  	_ =	swait.ge [sflag:s11], $0x2780  }
0x14: {  	[sflag:s11] =	ssyncset.done $0x0  }
0x15: {  	[sflag:s11] =	ssyncadd.s32 $0xFFFFD880  }
0x16: {  	[tilespmem:s4], [sflag:$0x2] =	stream.linear.gather [hbm4b:s8+s4], $0x2800, $0x38;
	[tilespmem:$0x1CC00] =	vst v63  }
0x17: {  	_ =	swait.ge [sflag:s11], $0x2800  }
0x18: {  	[sflag:s11] =	ssyncset.done $0x0  }
0x19: {  	s18 =	simm.s32 $0x2800;
	[sflag:s11] =	ssyncadd.s32 $0xFFFFD800  }
0x1a: {  	[tilespmem:s18], [sflag:$0x2] =	stream.linear.gather [hbm4b:s12+s4], $0x2800, $0x38;
	[tilespmem:$0x1CC00] =	vst v63  }
0x1b: {  	_ =	swait.ge [sflag:s11], $0x2800  }
0x1c: {  	[sflag:s11] =	ssyncset.done $0x0  }
0x1d: {  	[sflag:s11] =	ssyncadd.s32 $0xFFFFD800  }
0x1e: {  	[bflag:$0x0] =	sbarrier.arrive $0xFFFF  }
0x1f: {  	[tilespmem:s14], [sflag:$0x1] =	stream.indirect.gather [hbm4b:s2+s13], $0x80, s4, s13, $0xb8;
	[tilespmem:$0x1CC00] =	vst v63  }
0x20: {  	p0 =	sne.s32 s6, $0x1;
	_ =	swait.ge [sflag:s15], $0x4000  }
.Ltmp0:
0x21: {  	[sflag:s15] =	ssyncset.done $0x0;
	(pc) =	sbr.rel @!p0 .LBB2_3-.Ltmp0, $4  }
0x22: {  	[sflag:s15] =	ssyncadd.s32 $0xFFFFC000  }
0x23: {  	[spmem:s3] =	stream.indirect.scatter.add.f32 [tilespmem:s14], [sflag:$0x2], $0x80, s18, s13, $0xb8;
	[tilespmem:$0x1CC00] =	vst v63  }
0x24: {  	_ =	swait.ge [sflag:s11], $0x4000  }
0x25: {  	s19 =	sadd.s32 $0xFFFFFFFF, s6;
	s20 =	simm.s32 $0x0;
	[sflag:s11] =	ssyncset.done $0x0  }
.LBB2_2:
0x26: {  	[sflag:s11] =	ssyncadd.s32 $0xFFFFC000;
	s20 =	sadd.s32 $0x80, s20;
	s18 =	sadd.s32 $0x80, s18  }
0x27: {  	[tilespmem:s14], [sflag:$0x1] =	stream.indirect.gather [hbm4b:s2+s13], $0x80, s20, s13, $0xb8;
	[tilespmem:$0x1CC00] =	vst v63  }
0x28: {  	p0 =	sne.s32 s19, $0x1;
	s19 =	sadd.s32 $0xFFFFFFFF, s19;
	_ =	swait.ge [sflag:s15], $0x4000  }
.Ltmp1:
0x29: {  	[sflag:s15] =	ssyncset.done $0x0;
	(pc) =	sbr.rel @p0 .LBB2_2-.Ltmp1, $4  }
0x2a: {  	[sflag:s15] =	ssyncadd.s32 $0xFFFFC000  }
0x2b: {  	[spmem:s3] =	stream.indirect.scatter.add.f32 [tilespmem:s14], [sflag:$0x2], $0x80, s18, s13, $0xb8;
	[tilespmem:$0x1CC00] =	vst v63  }
0x2c: {  	_ =	swait.ge [sflag:s11], $0x4000  }
0x2d: {  	[sflag:s11] =	ssyncset.done $0x0  }
.LBB2_3:
0x2e: {  	s17 =	sadd.s32 $0x1, s17  }
0x2f: {  	[sflag:s11] =	ssyncadd.s32 $0xFFFFC000;
	p0 =	sne.s32 s17, s9  }
.Ltmp2:
0x30: {  	[bflag:$0x0] =	sbarrier.arrive $0xFFFF;
	(pc) =	sbr.rel @p0 .LBB2_1-.Ltmp2, $4  }
0x31: {  	[hbm:s16], [sflag:s7] =	dma.local [spmem:s10], $0x2780  }
0x32: {  	_ =	swait.ge [sflag:s11], $0x2780  }
0x33: {  	[sflag:s11] =	ssyncset.done $0x0  }
0x34: {  	[sflag:s11] =	ssyncadd.s32 $0xFFFFD880  }
0x35: {  	_ =	sfence.sel $0x180000  }
0x36: {  	[bflag:$0x0] =	sbarrier.arrive $0xFFFF  }
0x37: {  	p0 =	sne.s32 s1, $0x0;
	_ =	strace $0x9000004A  }
0x38: {  	s0 =	sadd.s32 @!p0 $0x100000, s0;
	[bflag:$0x2] =	sbarrier.arrive $0xFFFF  }
0x39: {  	[sflag:s0] =	ssyncadd.tile.s32 @!p0 $0x1;
	_ =	shalt  }
.Lfunc_end2:
_tile_overlayer_lowered:
.L_overlay_start_2:
0x3a: {  	(tag) =	ssettag $0x2  }
0x3b: {  	s0 =	rddreg [dreg:$0x0];
	s2 =	stileid.u32  }
0x3c: {  	s1 =	rddreg [dreg:$0x1];
	p0 =	sne.s32 s2, $0x0  }
0x3d: {  	s3 =	rddreg [dreg:$0x2];
	[bflag:$0x3] =	sbarrier.arrive $0xFFFF;
	s2 =	simm.s32 @!p0 $0x1C02  }
0x3e: {  	[timem:s3], [sflag:s2] =	dma.local @!p0 [hbm:s0], s1  }
0x3f: {  	s0 =	simm.s32 @!p0 $0x2  }
0x40: {  	_ =	swait.ge @!p0 [sflag:s0], s1  }
0x41: {  	s1 =	ssub.s32 @!p0 $0x0, s1;
	[sflag:s0] =	ssyncset.done @!p0 $0x0  }
0x42: {  	[sflag:s0] =	ssyncadd.s32 @!p0 s1  }
0x43: {  	[bflag:$0x3] =	sbarrier.arrive $0xFFFF  }
0x44: {  	_ =	shalt  }

// kernel: kernel.16.cloned.1.call-start
scs
__scs_entry_jumppad:
0x0: {  	(pc) =	sbr.rel $0x88, $3  }
0x1: {  	(tag) =	ssettag $0x0;
	lr =	simm.s32 $0x1  }
0x2: {  	[smem:$0x3F96] =	sst lr;
	_ =	strace $0xD0000000  }
0x3: {  	_ = 	snop  }
0x4: {  	_ = 	snop  }
0x5: {  	_ = 	snop  }
0x6: {  	_ = 	snop  }
0x7: {  	_ = 	snop  }
__scs_overlays_trampoline_lowered:
0x8: {  	[smem:$0x3FA5] =	sst s0  }
0x9: {  	[smem:$0x3FA6] =	sst s1  }
0xa: {  	[smem:$0x3FA7] =	sst s2  }
0xb: {  	[smem:$0x3FA8] =	sst s3  }
0xc: {  	[smem:$0x3FA9] =	sst s4  }
0xd: {  	[smem:$0x3FAA] =	sst s5  }
0xe: {  	[smem:$0x3FAB] =	sst s6  }
0xf: {  	[smem:$0x3FAC] =	sst s7  }
0x10: {  	[smem:$0x3FAD] =	sst s8  }
0x11: {  	[smem:$0x3FAE] =	sst s9;
	s0 =	simm.s32 @!p0 $0x0  }
0x12: {  	s1 =	sld [smem:$0x3F94];
	s0 =	simm.s32 @p0 $0x1  }
0x13: {  	[smem:$0x3FAF] =	sst s0;
	s0 =	simm.s32 @!p1 $0x0  }
0x14: {  	s2 =	sld [smem:$0x3F93];
	s0 =	simm.s32 @p1 $0x1  }
0x15: {  	[smem:$0x3FB0] =	sst s0;
	s0 =	simm.s32 @!p2 $0x0  }
0x16: {  	s3 =	sld [smem:$0x3FDB];
	s0 =	simm.s32 @p2 $0x1  }
0x17: {  	s4 =	simm.s32 $0x1BF5;
	[smem:$0x3FB2] =	sst s0  }
0x18: {  	s0 =	sld [smem:$0x3F95];
	_ =	swait.ge [sflag:s4], $0x0  }
0x19: {  	s7 =	sld [smem:$0x3F96]  }
0x1a: {  	s8 =	sadd.s32 $0xFFFFE003, lr  }
0x1b: {  	s9 =	sadd.s32 $0xFFFFFEF7, lr;
	s5 =	simm.s32 $0xFFFFFFFF;
	p2 =	slt.u32 s8, $0xFFFFF086  }
0x1c: {  	p1 =	slt.u32 s9, $0xF7A;
	s5 =	simm.s32 @!p2 $0x0  }
0x1d: {  	s5 =	simm.s32 @p1 $0x1;
	p0 =	seq.s32 s7, s2  }
0x1e: {  	s7 =	smul.u32 @!p0 $0xF7A, s2;
	p2 =	seq.s32 @!p0 s5, $0x0  }
0x1f: {  	s9 =	smul.u32 $0xF7A, s1;
	s8 =	simm.s32 @!p0 $0x1BF5;
	p2 =	por !p2, p0  }
0x20: {  	[sflag:s8] =	ssyncset.s32 @!p0 $0xFFFFF086;
	s6 =	sadd.s32 @!p0 s3, s7;
	s7 =	simm.s32 @!p0 $0x108  }
0x21: {  	s3 =	sadd.s32 s3, s9;
	s6 =	sadd.s32 @!p0 $0x88, s6;
	s7 =	simm.s32 @p2 $0x1082  }
0x22: {  	[simem:s7], [sflag:s8] =	dma.local @!p0 [hbm:s6], $0xF7A  }
0x23: {  	s9 =	sor.u32 $0xD0000000, s2;
	s6 =	simm.s32 $0x108;
	_ =	swait.ge @!p0 [sflag:s8], $0x0  }
0x24: {  	s3 =	sadd.s32 $0x88, s3;
	s6 =	simm.s32 @!p1 $0x1082;
	[sflag:s4] =	ssyncset.s32 $0xFFFFF086  }
0x25: {  	[simem:s6], [sflag:s4] =	dma.local [hbm:s3], $0xF7A  }
0x26: {  	[smem:$0x3F96] =	sst s1;
	(tag) =	ssettag s2;
	_ =	strace s9  }
0x27: {  	s1 =	sld [smem:$0x3FA6]  }
0x28: {  	s2 =	sld [smem:$0x3FA7]  }
0x29: {  	s4 =	sld [smem:$0x3FA9]  }
0x2a: {  	p0 =	seq.s32 s5, $0x0;
	s5 =	sld [smem:$0x3FAA]  }
0x2b: {  	s6 =	sld [smem:$0x3FAB]  }
0x2c: {  	s7 =	sld [smem:$0x3FAC]  }
0x2d: {  	s3 =	simm.s32 $0x108;
	s8 =	sld [smem:$0x3FAD]  }
0x2e: {  	s3 =	simm.s32 @!p0 $0x1082;
	s9 =	sld [smem:$0x3FAE]  }
0x2f: {  	lr =	sadd.s32 s0, s3;
	s0 =	sld [smem:$0x3FA5]  }
0x30: {  	s3 =	sld [smem:$0x3FA8]  }
0x31: {  	[smem:$0x3FB1] =	sst s10  }
0x32: {  	s10 =	sld [smem:$0x3FAF];
	_ =	sdelay $0x3  }
0x33: {  	p0 =	seq.s32 s10, $0x1;
	s10 =	sld [smem:$0x3FB1];
	_ =	sdelay $0x3  }
0x34: {  	[smem:$0x3FB1] =	sst s10  }
0x35: {  	s10 =	sld [smem:$0x3FB0];
	_ =	sdelay $0x3  }
0x36: {  	p1 =	seq.s32 s10, $0x1;
	s10 =	sld [smem:$0x3FB1];
	_ =	sdelay $0x3  }
0x37: {  	[smem:$0x3FB1] =	sst s10  }
0x38: {  	s10 =	sld [smem:$0x3FB2]  }
0x39: {  	_ = 	snop;
	(pc) =	sbr.ind lr, $3  }
0x3a: {  	_ = 	snop  }
0x3b: {  	_ = 	snop  }
0x3c: {  	p2 =	seq.s32 s10, $0x1;
	s10 =	sld [smem:$0x3FB1]  }
0x3d: {  	_ =	shalt  }
0x3e: {  	_ =	shalt  }
0x3f: {  	_ =	shalt  }
0x40: {  	_ =	shalt  }
0x41: {  	_ =	shalt  }
0x42: {  	_ =	shalt  }
0x43: {  	_ =	shalt  }
0x44: {  	_ =	shalt  }
0x45: {  	_ =	shalt  }
0x46: {  	_ =	shalt  }
0x47: {  	_ =	shalt  }
0x48: {  	_ =	shalt  }
0x49: {  	_ =	shalt  }
0x4a: {  	_ =	shalt  }
0x4b: {  	_ =	shalt  }
0x4c: {  	_ =	shalt  }
0x4d: {  	_ =	shalt  }
0x4e: {  	_ =	shalt  }
0x4f: {  	_ =	shalt  }
0x50: {  	_ =	shalt  }
0x51: {  	_ =	shalt  }
0x52: {  	_ =	shalt  }
0x53: {  	_ =	shalt  }
0x54: {  	_ =	shalt  }
0x55: {  	_ =	shalt  }
0x56: {  	_ =	shalt  }
0x57: {  	_ =	shalt  }
0x58: {  	_ =	shalt  }
0x59: {  	_ =	shalt  }
0x5a: {  	_ =	shalt  }
0x5b: {  	_ =	shalt  }
0x5c: {  	_ =	shalt  }
0x5d: {  	_ =	shalt  }
0x5e: {  	_ =	shalt  }
0x5f: {  	_ =	shalt  }
0x60: {  	_ =	shalt  }
0x61: {  	_ =	shalt  }
0x62: {  	_ =	shalt  }
0x63: {  	_ =	shalt  }
0x64: {  	_ =	shalt  }
0x65: {  	_ =	shalt  }
0x66: {  	_ =	shalt  }
0x67: {  	_ =	shalt  }
0x68: {  	_ =	shalt  }
0x69: {  	_ =	shalt  }
0x6a: {  	_ =	shalt  }
0x6b: {  	_ =	shalt  }
0x6c: {  	_ =	shalt  }
0x6d: {  	_ =	shalt  }
0x6e: {  	_ =	shalt  }
0x6f: {  	_ =	shalt  }
0x70: {  	_ =	shalt  }
0x71: {  	_ =	shalt  }
0x72: {  	_ =	shalt  }
0x73: {  	_ =	shalt  }
0x74: {  	_ =	shalt  }
0x75: {  	_ =	shalt  }
0x76: {  	_ =	shalt  }
0x77: {  	_ =	shalt  }
0x78: {  	_ =	shalt  }
0x79: {  	_ =	shalt  }
0x7a: {  	_ =	shalt  }
0x7b: {  	_ =	shalt  }
0x7c: {  	_ =	shalt  }
0x7d: {  	_ =	shalt  }
0x7e: {  	_ =	shalt  }
0x7f: {  	_ =	shalt  }
0x80: {  	_ =	shalt  }
0x81: {  	_ =	shalt  }
0x82: {  	_ =	shalt  }
0x83: {  	_ =	shalt  }
0x84: {  	_ =	shalt  }
0x85: {  	_ =	shalt  }
0x86: {  	_ =	shalt  }
0x87: {  	_ =	shalt  }
.Lfunc_end0:
.L_simem_size_0:
called_computation.2_lowered:
.L_overlay_start_0:
0x88: {  	s2 =	sld [smem:$0x3FD9]  }
0x89: {  	s3 =	sld [smem:$0x3FFE];
	_ =	sdelay $0x1  }
0x8a: {  	s1 =	srdreg.scid  }
0x8b: {  	s0 =	sand.u32 $0x1, s1  }
0x8c: {  	s14 =	sshll.u32 s0, $0xA;
	s2 =	sadd.s32 s3, s2  }
0x8d: {  	s2 =	sadd.s32 s2, s14  }
0x8e: {  	[smem:$0x3FBD] =	sst s2  }
0x8f: {  	_ = 	snop  }
0x90: {  	s2 =	sld [smem:$0x3FD0];
	_ =	sdelay $0x2  }
0x91: {  	s15 =	simm.s32 $0xB;
	s4 =	simm.s32 $0x10  }
0x92: {  	[smem:s4], [sflag:s15] =	dma.local [hbm:s2], $0x1  }
0x93: {  	_ =	swait.eq [sflag:s15], $0x1  }
0x94: {  	[sflag:s15] =	ssyncset.done $0x0  }
0x95: {  	[sflag:s15] =	ssyncadd.s32 $0xFFFFFFFF  }
0x96: {  	s16 =	sld [smem:$0x11];
	(tm) =	ssettm $0x1  }
0x97: {  	s17 =	sld [smem:$0x3FFB];
	_ =	sdelay $0x3  }
0x98: {  	_ =	strace s17  }
0x99: {  	s3 =	sld [smem:$0x3FFC];
	_ =	sdelay $0x3  }
0x9a: {  	_ =	strace s3  }
0x9b: {  	s3 =	sld [smem:$0x3FFD];
	_ =	sdelay $0x3  }
0x9c: {  	_ =	strace s3  }
0x9d: {  	_ =	strace $0x8FFFFFFF  }
0x9e: {  	s18 =	sld [smem:$0x3FDB];
	_ =	sdelay $0x1  }
0x9f: {  	s19 =	simm.s32 $_scs_section_size  }
0xa0: {  	s5 =	simm.s32 $_size__tile_overlayer_lowered;
	s6 =	simm.s32 $_tile_overlayer_lowered  }
0xa1: {  	s22 =	simm.s32 $0x1BFF;
	s21 =	sshll.u32 s6, $0x1;
	s3 =	sadd.s32 s19, s18  }
0xa2: {  	s7 =	simm.s32 $0x0;
	s20 =	sshll.u32 s5, $0x1;
	s5 =	sadd.s32 s21, s3  }
0xa3: {  	[timem:s7], [sflag:s22] =	dma.local [hbm:s5], s20  }
0xa4: {  	_ =	swait.ge [sflag:s22], s20  }
0xa5: {  	s4 =	ssub.s32 $0x0, s20;
	[sflag:s22] =	ssyncset.done $0x0  }
0xa6: {  	[sflag:s22] =	ssyncadd.s32 s4;
	_ =	sdelay $0x1  }
0xa7: {  	s23 =	simm.s32 $0x1B8B  }
0xa8: {  	_ =	swait.ge [sflag:s23], $0x1  }
0xa9: {  	[sflag:s23] =	ssyncset.done $0x0  }
0xaa: {  	s25 =	simm.s32 $0x1B8E;
	s24 =	sld [smem:$0x3FFE];
	[sflag:s23] =	ssyncadd.s32 $0xFFFFFFFF  }
0xab: {  	s26 =	simm.s32 $execute0_lowered;
	[smem:$0x3FD2] =	sst s25  }
0xac: {  	s5 =	sshll.u32 s26, $0x1;
	_ =	strace $0x8000004C;
	[dreg:$0x1] =	wrdreg $0xFFFFFFFF  }
0xad: {  	s28 =	simm.s32 $_size_execute0_lowered;
	s3 =	sadd.s32 s3, s5;
	[dreg:$0x0] =	wrdreg $0x0  }
0xae: {  	s5 =	sshll.u32 s28, $0x1;
	[dreg:$0x2] =	wrdreg s3  }
0xaf: {  	[dreg:$0x3] =	wrdreg s5  }
0xb0: {  	[dreg:$0x4] =	wrdreg $0xC0  }
0xb1: {  	_ =	task [dreg:s7], $0x5FFFF  }
0xb2: {  	[dreg:$0x1] =	wrdreg $0xFFFFFFFF  }
0xb3: {  	[dreg:$0x0] =	wrdreg $0x60  }
0xb4: {  	[dreg:$0x2] =	wrdreg s16  }
0xb5: {  	[dreg:$0x3] =	wrdreg s24  }
0xb6: {  	[dreg:$0x4] =	wrdreg $0x90000  }
0xb7: {  	[dreg:$0x5] =	wrdreg $0x9  }
0xb8: {  	_ =	task.clear_ibuf [dreg:s7], $0x6FFFF;
	_ =	strace $0x9000004C  }
0xb9: {  	s29 =	simm.s32 $0x9;
	_ =	strace $0x8000004E  }
0xba: {  	_ =	swait.ge [sflag:s29], $0x1  }
0xbb: {  	[sflag:s29] =	ssyncadd.s32 $0xFFFFFFFF  }
0xbc: {  	_ =	strace $0x9000004E  }
0xbd: {  	_ =	sfence  }
0xbe: {  	s30 =	sld [smem:$0x0];
	_ =	sdelay $0x2  }
0xbf: {  	s31 =	sshll.u32 s1, $0xD;
	s1 =	sshrl.u32 s1, $0x2  }
0xc0: {  	s3 =	sand.u32 $0x4000, s31;
	s1 =	sadd.s32 s1, s30  }
0xc1: {  	s0 =	sor.u32 s3, s0;
	s1 =	sshll.u32 s1, $0x11  }
0xc2: {  	s0 =	sor.u32 s1, s0  }
0xc3: {  	s0 =	sadd.s32 $0x8F2B, s0  }
0xc4: {  	[sflag:s0] =	ssyncadd.remote.s32 $0x1  }
0xc5: {  	_ =	sfence.sel $0xFFFF  }
0xc6: {  	[dreg:$0x0] =	wrdreg $0xFFFFFFFF;
	(pc) =	sbr.abs _section_cstart, $3  }
0xc7: {  	[dreg:$0x1] =	wrdreg $0xFFFFFFFF  }
0xc8: {  	_ =	task.clear_ibuf [dreg:s7], $0x2FFFF;
	_ =	strace $0x9FFFFFFF  }
0xc9: {  	(tm) =	ssettm $0x7FFFFFFF  }
tec
execute0_lowered:
.L_overlay_start_1:
0x0: {  	(tag) =	ssettag $0x1  }
0x1: {  	s2 =	rddreg [dreg:$0x0]  }
0x2: {  	s9 =	rddreg [dreg:$0x1]  }
0x3: {  	s3 =	rddreg [dreg:$0x2];
	s1 =	stileid.u32  }
0x4: {  	s0 =	rddreg [dreg:$0x3];
	s4 =	simm.s32 $0x0;
	s6 =	srdreg.scid  }
0x5: {  	s5 =	smul.u32 $0x4C, s1;
	s7 =	smin.u32 s1, $0x4;
	s6 =	sand.u32 $0x1, s6  }
0x6: {  	s8 =	smul.u32 $0x50, s1;
	[smem:$0x7FF] =	sst s4;
	p1 =	slt.u32 s1, $0x4  }
0x7: {  	s13 =	smul.u32 $0x13C00, s1;
	s31 =	sshll.u32 s1, $0x6;
	s15 =	sadd.s32 $0xD540, s9  }
0x8: {  	p0 =	seq.s32 s6, $0x0;
	s28 =	smul.u32 $0x27800, s6;
	_ =	strace $0x8000004D  }
0x9: {  	s30 =	ssub.s32 $0x2, s6;
	s6 =	simm.s32 $0x4D;
	s5 =	sadd.s32 s7, s5  }
0xa: {  	s11 =	sshrl.u32 s30, $0x1;
	s6 =	simm.s32 @!p1 $0x4C;
	s14 =	sadd.s32 s13, s3  }
0xb: {  	s7 =	sor.u32 $0x1C02, s31;
	s17 =	sshrl.u32 s13, $0x3;
	s13 =	simm.s32 $0x80  }
0xc: {  	s5 =	sadd.s32 $0x500, s5;
	s10 =	sadd.s32 s28, s9;
	s11 =	ssub.s32 s30, s11  }
0xd: {  	s6 =	simm.s32 @p0 $0x50;
	s5 =	smov.u32 @p0 s8;
	s16 =	sadd.s32 $0x1A800, s10  }
0xe: {  	s10 =	sshrl.u32 s14, $0x3;
	s14 =	simm.s32 $0x5000;
	s12 =	sshll.u32 s5, $0x4  }
0xf: {  	s5 =	sadd.s32 $0x18000, s9;
	s16 =	sadd.s32 s17, s16;
	s17 =	simm.s32 $0x0  }
0x10: {  	s29 =	sadd.s32 s12, s9;
	s9 =	smax.u32 s11, $0x1;
	s11 =	simm.s32 $0x2  }
0x11: {  	s12 =	sadd.s32 s12, s15;
	s15 =	simm.s32 $0x1;
	s8 =	sadd.s32 $0x3400, s29  }
.LBB2_1:
0x12: {  	[spmem:s10], [sflag:s7] =	dma.local [hbm:s5], $0x2780  }
0x13: {  	_ =	swait.ge [sflag:s11], $0x2780  }
0x14: {  	[sflag:s11] =	ssyncset.done $0x0  }
0x15: {  	[sflag:s11] =	ssyncadd.s32 $0xFFFFD880  }
0x16: {  	[tilespmem:s4], [sflag:$0x2] =	stream.linear.gather [hbm4b:s8+s4], $0x2800, $0x38;
	[tilespmem:$0x1CC00] =	vst v63  }
0x17: {  	_ =	swait.ge [sflag:s11], $0x2800  }
0x18: {  	[sflag:s11] =	ssyncset.done $0x0  }
0x19: {  	s18 =	simm.s32 $0x2800;
	[sflag:s11] =	ssyncadd.s32 $0xFFFFD800  }
0x1a: {  	[tilespmem:s18], [sflag:$0x2] =	stream.linear.gather [hbm4b:s12+s4], $0x2800, $0x38;
	[tilespmem:$0x1CC00] =	vst v63  }
0x1b: {  	_ =	swait.ge [sflag:s11], $0x2800  }
0x1c: {  	[sflag:s11] =	ssyncset.done $0x0  }
0x1d: {  	[sflag:s11] =	ssyncadd.s32 $0xFFFFD800  }
0x1e: {  	[bflag:$0x0] =	sbarrier.arrive $0xFFFF  }
0x1f: {  	[tilespmem:s14], [sflag:$0x1] =	stream.indirect.gather [hbm4b:s2+s13], $0x80, s4, s13, $0xb8;
	[tilespmem:$0x1CC00] =	vst v63  }
0x20: {  	p0 =	sne.s32 s6, $0x1;
	_ =	swait.ge [sflag:s15], $0x4000  }
.Ltmp0:
0x21: {  	[sflag:s15] =	ssyncset.done $0x0;
	(pc) =	sbr.rel @!p0 .LBB2_3-.Ltmp0, $4  }
0x22: {  	[sflag:s15] =	ssyncadd.s32 $0xFFFFC000  }
0x23: {  	[spmem:s3] =	stream.indirect.scatter.add.f32 [tilespmem:s14], [sflag:$0x2], $0x80, s18, s13, $0xb8;
	[tilespmem:$0x1CC00] =	vst v63  }
0x24: {  	_ =	swait.ge [sflag:s11], $0x4000  }
0x25: {  	s19 =	sadd.s32 $0xFFFFFFFF, s6;
	s20 =	simm.s32 $0x0;
	[sflag:s11] =	ssyncset.done $0x0  }
.LBB2_2:
0x26: {  	[sflag:s11] =	ssyncadd.s32 $0xFFFFC000;
	s20 =	sadd.s32 $0x80, s20;
	s18 =	sadd.s32 $0x80, s18  }
0x27: {  	[tilespmem:s14], [sflag:$0x1] =	stream.indirect.gather [hbm4b:s2+s13], $0x80, s20, s13, $0xb8;
	[tilespmem:$0x1CC00] =	vst v63  }
0x28: {  	p0 =	sne.s32 s19, $0x1;
	s19 =	sadd.s32 $0xFFFFFFFF, s19;
	_ =	swait.ge [sflag:s15], $0x4000  }
.Ltmp1:
0x29: {  	[sflag:s15] =	ssyncset.done $0x0;
	(pc) =	sbr.rel @p0 .LBB2_2-.Ltmp1, $4  }
0x2a: {  	[sflag:s15] =	ssyncadd.s32 $0xFFFFC000  }
0x2b: {  	[spmem:s3] =	stream.indirect.scatter.add.f32 [tilespmem:s14], [sflag:$0x2], $0x80, s18, s13, $0xb8;
	[tilespmem:$0x1CC00] =	vst v63  }
0x2c: {  	_ =	swait.ge [sflag:s11], $0x4000  }
0x2d: {  	[sflag:s11] =	ssyncset.done $0x0  }
.LBB2_3:
0x2e: {  	s17 =	sadd.s32 $0x1, s17  }
0x2f: {  	[sflag:s11] =	ssyncadd.s32 $0xFFFFC000;
	p0 =	sne.s32 s17, s9  }
.Ltmp2:
0x30: {  	[bflag:$0x0] =	sbarrier.arrive $0xFFFF;
	(pc) =	sbr.rel @p0 .LBB2_1-.Ltmp2, $4  }
0x31: {  	[hbm:s16], [sflag:s7] =	dma.local [spmem:s10], $0x2780  }
0x32: {  	_ =	swait.ge [sflag:s11], $0x2780  }
0x33: {  	[sflag:s11] =	ssyncset.done $0x0  }
0x34: {  	[sflag:s11] =	ssyncadd.s32 $0xFFFFD880  }
0x35: {  	_ =	sfence.sel $0x180000  }
0x36: {  	[bflag:$0x0] =	sbarrier.arrive $0xFFFF  }
0x37: {  	p0 =	sne.s32 s1, $0x0;
	_ =	strace $0x9000004D  }
0x38: {  	s0 =	sadd.s32 @!p0 $0x100000, s0;
	[bflag:$0x2] =	sbarrier.arrive $0xFFFF  }
0x39: {  	[sflag:s0] =	ssyncadd.tile.s32 @!p0 $0x1;
	_ =	shalt  }
.Lfunc_end2:
_tile_overlayer_lowered:
.L_overlay_start_2:
0x3a: {  	(tag) =	ssettag $0x2  }
0x3b: {  	s0 =	rddreg [dreg:$0x0];
	s2 =	stileid.u32  }
0x3c: {  	s1 =	rddreg [dreg:$0x1];
	p0 =	sne.s32 s2, $0x0  }
0x3d: {  	s3 =	rddreg [dreg:$0x2];
	[bflag:$0x3] =	sbarrier.arrive $0xFFFF;
	s2 =	simm.s32 @!p0 $0x1C02  }
0x3e: {  	[timem:s3], [sflag:s2] =	dma.local @!p0 [hbm:s0], s1  }
0x3f: {  	s0 =	simm.s32 @!p0 $0x2  }
0x40: {  	_ =	swait.ge @!p0 [sflag:s0], s1  }
0x41: {  	s1 =	ssub.s32 @!p0 $0x0, s1;
	[sflag:s0] =	ssyncset.done @!p0 $0x0  }
0x42: {  	[sflag:s0] =	ssyncadd.s32 @!p0 s1  }
0x43: {  	[bflag:$0x3] =	sbarrier.arrive $0xFFFF  }
0x44: {  	_ =	shalt  }

// kernel: kernel.19.cloned.1.call-start
scs
__scs_entry_jumppad:
0x0: {  	(pc) =	sbr.rel $0x88, $3  }
0x1: {  	(tag) =	ssettag $0x0;
	lr =	simm.s32 $0x1  }
0x2: {  	[smem:$0x3F96] =	sst lr;
	_ =	strace $0xD0000000  }
0x3: {  	_ = 	snop  }
0x4: {  	_ = 	snop  }
0x5: {  	_ = 	snop  }
0x6: {  	_ = 	snop  }
0x7: {  	_ = 	snop  }
__scs_overlays_trampoline_lowered:
0x8: {  	[smem:$0x3FA5] =	sst s0  }
0x9: {  	[smem:$0x3FA6] =	sst s1  }
0xa: {  	[smem:$0x3FA7] =	sst s2  }
0xb: {  	[smem:$0x3FA8] =	sst s3  }
0xc: {  	[smem:$0x3FA9] =	sst s4  }
0xd: {  	[smem:$0x3FAA] =	sst s5  }
0xe: {  	[smem:$0x3FAB] =	sst s6  }
0xf: {  	[smem:$0x3FAC] =	sst s7  }
0x10: {  	[smem:$0x3FAD] =	sst s8  }
0x11: {  	[smem:$0x3FAE] =	sst s9;
	s0 =	simm.s32 @!p0 $0x0  }
0x12: {  	s1 =	sld [smem:$0x3F94];
	s0 =	simm.s32 @p0 $0x1  }
0x13: {  	[smem:$0x3FAF] =	sst s0;
	s0 =	simm.s32 @!p1 $0x0  }
0x14: {  	s2 =	sld [smem:$0x3F93];
	s0 =	simm.s32 @p1 $0x1  }
0x15: {  	[smem:$0x3FB0] =	sst s0;
	s0 =	simm.s32 @!p2 $0x0  }
0x16: {  	s3 =	sld [smem:$0x3FDB];
	s0 =	simm.s32 @p2 $0x1  }
0x17: {  	s4 =	simm.s32 $0x1BF5;
	[smem:$0x3FB2] =	sst s0  }
0x18: {  	s0 =	sld [smem:$0x3F95];
	_ =	swait.ge [sflag:s4], $0x0  }
0x19: {  	s7 =	sld [smem:$0x3F96]  }
0x1a: {  	s8 =	sadd.s32 $0xFFFFE003, lr  }
0x1b: {  	s9 =	sadd.s32 $0xFFFFFEF7, lr;
	s5 =	simm.s32 $0xFFFFFFFF;
	p2 =	slt.u32 s8, $0xFFFFF086  }
0x1c: {  	p1 =	slt.u32 s9, $0xF7A;
	s5 =	simm.s32 @!p2 $0x0  }
0x1d: {  	s5 =	simm.s32 @p1 $0x1;
	p0 =	seq.s32 s7, s2  }
0x1e: {  	s7 =	smul.u32 @!p0 $0xF7A, s2;
	p2 =	seq.s32 @!p0 s5, $0x0  }
0x1f: {  	s9 =	smul.u32 $0xF7A, s1;
	s8 =	simm.s32 @!p0 $0x1BF5;
	p2 =	por !p2, p0  }
0x20: {  	[sflag:s8] =	ssyncset.s32 @!p0 $0xFFFFF086;
	s6 =	sadd.s32 @!p0 s3, s7;
	s7 =	simm.s32 @!p0 $0x108  }
0x21: {  	s3 =	sadd.s32 s3, s9;
	s6 =	sadd.s32 @!p0 $0x88, s6;
	s7 =	simm.s32 @p2 $0x1082  }
0x22: {  	[simem:s7], [sflag:s8] =	dma.local @!p0 [hbm:s6], $0xF7A  }
0x23: {  	s9 =	sor.u32 $0xD0000000, s2;
	s6 =	simm.s32 $0x108;
	_ =	swait.ge @!p0 [sflag:s8], $0x0  }
0x24: {  	s3 =	sadd.s32 $0x88, s3;
	s6 =	simm.s32 @!p1 $0x1082;
	[sflag:s4] =	ssyncset.s32 $0xFFFFF086  }
0x25: {  	[simem:s6], [sflag:s4] =	dma.local [hbm:s3], $0xF7A  }
0x26: {  	[smem:$0x3F96] =	sst s1;
	(tag) =	ssettag s2;
	_ =	strace s9  }
0x27: {  	s1 =	sld [smem:$0x3FA6]  }
0x28: {  	s2 =	sld [smem:$0x3FA7]  }
0x29: {  	s4 =	sld [smem:$0x3FA9]  }
0x2a: {  	p0 =	seq.s32 s5, $0x0;
	s5 =	sld [smem:$0x3FAA]  }
0x2b: {  	s6 =	sld [smem:$0x3FAB]  }
0x2c: {  	s7 =	sld [smem:$0x3FAC]  }
0x2d: {  	s3 =	simm.s32 $0x108;
	s8 =	sld [smem:$0x3FAD]  }
0x2e: {  	s3 =	simm.s32 @!p0 $0x1082;
	s9 =	sld [smem:$0x3FAE]  }
0x2f: {  	lr =	sadd.s32 s0, s3;
	s0 =	sld [smem:$0x3FA5]  }
0x30: {  	s3 =	sld [smem:$0x3FA8]  }
0x31: {  	[smem:$0x3FB1] =	sst s10  }
0x32: {  	s10 =	sld [smem:$0x3FAF];
	_ =	sdelay $0x3  }
0x33: {  	p0 =	seq.s32 s10, $0x1;
	s10 =	sld [smem:$0x3FB1];
	_ =	sdelay $0x3  }
0x34: {  	[smem:$0x3FB1] =	sst s10  }
0x35: {  	s10 =	sld [smem:$0x3FB0];
	_ =	sdelay $0x3  }
0x36: {  	p1 =	seq.s32 s10, $0x1;
	s10 =	sld [smem:$0x3FB1];
	_ =	sdelay $0x3  }
0x37: {  	[smem:$0x3FB1] =	sst s10  }
0x38: {  	s10 =	sld [smem:$0x3FB2]  }
0x39: {  	_ = 	snop;
	(pc) =	sbr.ind lr, $3  }
0x3a: {  	_ = 	snop  }
0x3b: {  	_ = 	snop  }
0x3c: {  	p2 =	seq.s32 s10, $0x1;
	s10 =	sld [smem:$0x3FB1]  }
0x3d: {  	_ =	shalt  }
0x3e: {  	_ =	shalt  }
0x3f: {  	_ =	shalt  }
0x40: {  	_ =	shalt  }
0x41: {  	_ =	shalt  }
0x42: {  	_ =	shalt  }
0x43: {  	_ =	shalt  }
0x44: {  	_ =	shalt  }
0x45: {  	_ =	shalt  }
0x46: {  	_ =	shalt  }
0x47: {  	_ =	shalt  }
0x48: {  	_ =	shalt  }
0x49: {  	_ =	shalt  }
0x4a: {  	_ =	shalt  }
0x4b: {  	_ =	shalt  }
0x4c: {  	_ =	shalt  }
0x4d: {  	_ =	shalt  }
0x4e: {  	_ =	shalt  }
0x4f: {  	_ =	shalt  }
0x50: {  	_ =	shalt  }
0x51: {  	_ =	shalt  }
0x52: {  	_ =	shalt  }
0x53: {  	_ =	shalt  }
0x54: {  	_ =	shalt  }
0x55: {  	_ =	shalt  }
0x56: {  	_ =	shalt  }
0x57: {  	_ =	shalt  }
0x58: {  	_ =	shalt  }
0x59: {  	_ =	shalt  }
0x5a: {  	_ =	shalt  }
0x5b: {  	_ =	shalt  }
0x5c: {  	_ =	shalt  }
0x5d: {  	_ =	shalt  }
0x5e: {  	_ =	shalt  }
0x5f: {  	_ =	shalt  }
0x60: {  	_ =	shalt  }
0x61: {  	_ =	shalt  }
0x62: {  	_ =	shalt  }
0x63: {  	_ =	shalt  }
0x64: {  	_ =	shalt  }
0x65: {  	_ =	shalt  }
0x66: {  	_ =	shalt  }
0x67: {  	_ =	shalt  }
0x68: {  	_ =	shalt  }
0x69: {  	_ =	shalt  }
0x6a: {  	_ =	shalt  }
0x6b: {  	_ =	shalt  }
0x6c: {  	_ =	shalt  }
0x6d: {  	_ =	shalt  }
0x6e: {  	_ =	shalt  }
0x6f: {  	_ =	shalt  }
0x70: {  	_ =	shalt  }
0x71: {  	_ =	shalt  }
0x72: {  	_ =	shalt  }
0x73: {  	_ =	shalt  }
0x74: {  	_ =	shalt  }
0x75: {  	_ =	shalt  }
0x76: {  	_ =	shalt  }
0x77: {  	_ =	shalt  }
0x78: {  	_ =	shalt  }
0x79: {  	_ =	shalt  }
0x7a: {  	_ =	shalt  }
0x7b: {  	_ =	shalt  }
0x7c: {  	_ =	shalt  }
0x7d: {  	_ =	shalt  }
0x7e: {  	_ =	shalt  }
0x7f: {  	_ =	shalt  }
0x80: {  	_ =	shalt  }
0x81: {  	_ =	shalt  }
0x82: {  	_ =	shalt  }
0x83: {  	_ =	shalt  }
0x84: {  	_ =	shalt  }
0x85: {  	_ =	shalt  }
0x86: {  	_ =	shalt  }
0x87: {  	_ =	shalt  }
.Lfunc_end0:
.L_simem_size_0:
called_computation.3_lowered:
.L_overlay_start_0:
0x88: {  	s2 =	sld [smem:$0x3FD9]  }
0x89: {  	s3 =	sld [smem:$0x3FFE];
	_ =	sdelay $0x1  }
0x8a: {  	s1 =	srdreg.scid  }
0x8b: {  	s0 =	sand.u32 $0x1, s1  }
0x8c: {  	s14 =	sshll.u32 s0, $0xA;
	s2 =	sadd.s32 s3, s2  }
0x8d: {  	s2 =	sadd.s32 s2, s14  }
0x8e: {  	[smem:$0x3FBD] =	sst s2  }
0x8f: {  	_ = 	snop  }
0x90: {  	s2 =	sld [smem:$0x3FD0];
	_ =	sdelay $0x2  }
0x91: {  	s15 =	simm.s32 $0xB;
	s4 =	simm.s32 $0x10  }
0x92: {  	[smem:s4], [sflag:s15] =	dma.local [hbm:s2], $0x1  }
0x93: {  	_ =	swait.eq [sflag:s15], $0x1  }
0x94: {  	[sflag:s15] =	ssyncset.done $0x0  }
0x95: {  	[sflag:s15] =	ssyncadd.s32 $0xFFFFFFFF  }
0x96: {  	s16 =	sld [smem:$0x10];
	(tm) =	ssettm $0x1  }
0x97: {  	s17 =	sld [smem:$0x3FFB];
	_ =	sdelay $0x3  }
0x98: {  	_ =	strace s17  }
0x99: {  	s3 =	sld [smem:$0x3FFC];
	_ =	sdelay $0x3  }
0x9a: {  	_ =	strace s3  }
0x9b: {  	s3 =	sld [smem:$0x3FFD];
	_ =	sdelay $0x3  }
0x9c: {  	_ =	strace s3  }
0x9d: {  	_ =	strace $0x8FFFFFFF  }
0x9e: {  	s18 =	sld [smem:$0x3FDB];
	_ =	sdelay $0x1  }
0x9f: {  	s19 =	simm.s32 $_scs_section_size  }
0xa0: {  	s5 =	simm.s32 $_size__tile_overlayer_lowered;
	s6 =	simm.s32 $_tile_overlayer_lowered  }
0xa1: {  	s22 =	simm.s32 $0x1BFF;
	s21 =	sshll.u32 s6, $0x1;
	s3 =	sadd.s32 s19, s18  }
0xa2: {  	s7 =	simm.s32 $0x0;
	s20 =	sshll.u32 s5, $0x1;
	s5 =	sadd.s32 s21, s3  }
0xa3: {  	[timem:s7], [sflag:s22] =	dma.local [hbm:s5], s20  }
0xa4: {  	_ =	swait.ge [sflag:s22], s20  }
0xa5: {  	s4 =	ssub.s32 $0x0, s20;
	[sflag:s22] =	ssyncset.done $0x0  }
0xa6: {  	[sflag:s22] =	ssyncadd.s32 s4;
	_ =	sdelay $0x1  }
0xa7: {  	s23 =	simm.s32 $0x1B8B  }
0xa8: {  	_ =	swait.ge [sflag:s23], $0x1  }
0xa9: {  	[sflag:s23] =	ssyncset.done $0x0  }
0xaa: {  	s25 =	simm.s32 $0x1B8E;
	s24 =	sld [smem:$0x3FFE];
	[sflag:s23] =	ssyncadd.s32 $0xFFFFFFFF  }
0xab: {  	s26 =	simm.s32 $execute0_lowered;
	[smem:$0x3FD2] =	sst s25  }
0xac: {  	s5 =	sshll.u32 s26, $0x1;
	_ =	strace $0x8000004F;
	[dreg:$0x1] =	wrdreg $0xFFFFFFFF  }
0xad: {  	s28 =	simm.s32 $_size_execute0_lowered;
	s3 =	sadd.s32 s3, s5;
	[dreg:$0x0] =	wrdreg $0x0  }
0xae: {  	s5 =	sshll.u32 s28, $0x1;
	[dreg:$0x2] =	wrdreg s3  }
0xaf: {  	[dreg:$0x3] =	wrdreg s5  }
0xb0: {  	[dreg:$0x4] =	wrdreg $0xC0  }
0xb1: {  	_ =	task [dreg:s7], $0x5FFFF  }
0xb2: {  	[dreg:$0x1] =	wrdreg $0xFFFFFFFF  }
0xb3: {  	[dreg:$0x0] =	wrdreg $0x60  }
0xb4: {  	[dreg:$0x2] =	wrdreg s24  }
0xb5: {  	[dreg:$0x3] =	wrdreg s16  }
0xb6: {  	[dreg:$0x4] =	wrdreg $0x68000  }
0xb7: {  	[dreg:$0x5] =	wrdreg $0x9  }
0xb8: {  	_ =	task.clear_ibuf [dreg:s7], $0x6FFFF;
	_ =	strace $0x9000004F  }
0xb9: {  	s29 =	simm.s32 $0x9;
	_ =	strace $0x80000051  }
0xba: {  	_ =	swait.ge [sflag:s29], $0x1  }
0xbb: {  	[sflag:s29] =	ssyncadd.s32 $0xFFFFFFFF  }
0xbc: {  	_ =	strace $0x90000051  }
0xbd: {  	_ =	sfence  }
0xbe: {  	s30 =	sld [smem:$0x0];
	_ =	sdelay $0x2  }
0xbf: {  	s31 =	sshll.u32 s1, $0xD;
	s1 =	sshrl.u32 s1, $0x2  }
0xc0: {  	s3 =	sand.u32 $0x4000, s31;
	s1 =	sadd.s32 s1, s30  }
0xc1: {  	s0 =	sor.u32 s3, s0;
	s1 =	sshll.u32 s1, $0x11  }
0xc2: {  	s0 =	sor.u32 s1, s0  }
0xc3: {  	s0 =	sadd.s32 $0x8F2B, s0  }
0xc4: {  	[sflag:s0] =	ssyncadd.remote.s32 $0x1  }
0xc5: {  	_ =	sfence.sel $0xFFFF  }
0xc6: {  	[dreg:$0x0] =	wrdreg $0xFFFFFFFF;
	(pc) =	sbr.abs _section_cstart, $3  }
0xc7: {  	[dreg:$0x1] =	wrdreg $0xFFFFFFFF  }
0xc8: {  	_ =	task.clear_ibuf [dreg:s7], $0x2FFFF;
	_ =	strace $0x9FFFFFFF  }
0xc9: {  	(tm) =	ssettm $0x7FFFFFFF  }
tec
execute0_lowered:
.L_overlay_start_1:
0x0: {  	(tag) =	ssettag $0x1  }
0x1: {  	s9 =	rddreg [dreg:$0x0]  }
0x2: {  	s2 =	rddreg [dreg:$0x1]  }
0x3: {  	s3 =	rddreg [dreg:$0x2];
	s1 =	stileid.u32  }
0x4: {  	s0 =	rddreg [dreg:$0x3];
	s4 =	simm.s32 $0x0;
	s6 =	srdreg.scid  }
0x5: {  	s5 =	smul.u32 $0x4C, s1;
	s7 =	smin.u32 s1, $0x4;
	s6 =	sand.u32 $0x1, s6  }
0x6: {  	s8 =	smul.u32 $0x50, s1;
	[smem:$0x7FF] =	sst s4;
	p1 =	slt.u32 s1, $0x4  }
0x7: {  	s13 =	smul.u32 $0x7680, s1;
	s31 =	sshll.u32 s1, $0x6;
	s15 =	sadd.s32 $0xD540, s9  }
0x8: {  	p0 =	seq.s32 s6, $0x0;
	s28 =	smul.u32 $0xED00, s6;
	_ =	strace $0x80000050  }
0x9: {  	s30 =	ssub.s32 $0x2, s6;
	s6 =	simm.s32 $0x4D;
	s5 =	sadd.s32 s7, s5  }
0xa: {  	s11 =	sshrl.u32 s30, $0x1;
	s6 =	simm.s32 @!p1 $0x4C;
	s14 =	sadd.s32 s13, s3  }
0xb: {  	s7 =	sor.u32 $0x1C02, s31;
	s17 =	sshrl.u32 s13, $0x3;
	s13 =	simm.s32 $0x80  }
0xc: {  	s5 =	sadd.s32 $0x500, s5;
	s10 =	sadd.s32 s28, s9;
	s11 =	ssub.s32 s30, s11  }
0xd: {  	s6 =	simm.s32 @p0 $0x50;
	s5 =	smov.u32 @p0 s8;
	s16 =	sadd.s32 $0x26400, s10  }
0xe: {  	s10 =	sshrl.u32 s14, $0x3;
	s14 =	simm.s32 $0x5000;
	s12 =	sshll.u32 s5, $0x4  }
0xf: {  	s5 =	sadd.s32 $0x17800, s9;
	s16 =	sadd.s32 s17, s16;
	s17 =	simm.s32 $0x0  }
0x10: {  	s29 =	sadd.s32 s12, s9;
	s9 =	smax.u32 s11, $0x1;
	s11 =	simm.s32 $0x2  }
0x11: {  	s12 =	sadd.s32 s12, s15;
	s15 =	simm.s32 $0x1;
	s8 =	sadd.s32 $0x3400, s29  }
.LBB2_1:
0x12: {  	[spmem:s10], [sflag:s7] =	dma.local [hbm:s2], $0xED0  }
0x13: {  	_ =	swait.ge [sflag:s11], $0xED0  }
0x14: {  	[sflag:s11] =	ssyncset.done $0x0  }
0x15: {  	[sflag:s11] =	ssyncadd.s32 $0xFFFFF130  }
0x16: {  	[tilespmem:s4], [sflag:$0x2] =	stream.linear.gather [hbm4b:s8+s4], $0x2800, $0x38;
	[tilespmem:$0xDE80] =	vst v63  }
0x17: {  	_ =	swait.ge [sflag:s11], $0x2800  }
0x18: {  	[sflag:s11] =	ssyncset.done $0x0  }
0x19: {  	s18 =	simm.s32 $0x2800;
	[sflag:s11] =	ssyncadd.s32 $0xFFFFD800  }
0x1a: {  	[tilespmem:s18], [sflag:$0x2] =	stream.linear.gather [hbm4b:s12+s4], $0x2800, $0x38;
	[tilespmem:$0xDE80] =	vst v63  }
0x1b: {  	_ =	swait.ge [sflag:s11], $0x2800  }
0x1c: {  	[sflag:s11] =	ssyncset.done $0x0  }
0x1d: {  	[sflag:s11] =	ssyncadd.s32 $0xFFFFD800  }
0x1e: {  	[bflag:$0x0] =	sbarrier.arrive $0xFFFF  }
0x1f: {  	[tilespmem:s14], [sflag:$0x1] =	stream.indirect.gather [hbm4b:s5+s13], $0x30, s4, s13, $0xb8;
	[tilespmem:$0xDE80] =	vst v63  }
0x20: {  	p0 =	sne.s32 s6, $0x1;
	_ =	swait.ge [sflag:s15], $0x1800  }
.Ltmp0:
0x21: {  	[sflag:s15] =	ssyncset.done $0x0;
	(pc) =	sbr.rel @!p0 .LBB2_3-.Ltmp0, $4  }
0x22: {  	[sflag:s15] =	ssyncadd.s32 $0xFFFFE800  }
0x23: {  	[spmem:s3] =	stream.indirect.scatter.add.f32 [tilespmem:s14], [sflag:$0x2], $0x30, s18, s13, $0xb8;
	[tilespmem:$0xDE80] =	vst v63  }
0x24: {  	_ =	swait.ge [sflag:s11], $0x1800  }
0x25: {  	s19 =	sadd.s32 $0xFFFFFFFF, s6;
	s20 =	simm.s32 $0x0;
	[sflag:s11] =	ssyncset.done $0x0  }
.LBB2_2:
0x26: {  	[sflag:s11] =	ssyncadd.s32 $0xFFFFE800;
	s20 =	sadd.s32 $0x80, s20;
	s18 =	sadd.s32 $0x80, s18  }
0x27: {  	[tilespmem:s14], [sflag:$0x1] =	stream.indirect.gather [hbm4b:s5+s13], $0x30, s20, s13, $0xb8;
	[tilespmem:$0xDE80] =	vst v63  }
0x28: {  	p0 =	sne.s32 s19, $0x1;
	s19 =	sadd.s32 $0xFFFFFFFF, s19;
	_ =	swait.ge [sflag:s15], $0x1800  }
.Ltmp1:
0x29: {  	[sflag:s15] =	ssyncset.done $0x0;
	(pc) =	sbr.rel @p0 .LBB2_2-.Ltmp1, $4  }
0x2a: {  	[sflag:s15] =	ssyncadd.s32 $0xFFFFE800  }
0x2b: {  	[spmem:s3] =	stream.indirect.scatter.add.f32 [tilespmem:s14], [sflag:$0x2], $0x30, s18, s13, $0xb8;
	[tilespmem:$0xDE80] =	vst v63  }
0x2c: {  	_ =	swait.ge [sflag:s11], $0x1800  }
0x2d: {  	[sflag:s11] =	ssyncset.done $0x0  }
.LBB2_3:
0x2e: {  	s17 =	sadd.s32 $0x1, s17  }
0x2f: {  	[sflag:s11] =	ssyncadd.s32 $0xFFFFE800;
	p0 =	sne.s32 s17, s9  }
.Ltmp2:
0x30: {  	[bflag:$0x0] =	sbarrier.arrive $0xFFFF;
	(pc) =	sbr.rel @p0 .LBB2_1-.Ltmp2, $4  }
0x31: {  	[hbm:s16], [sflag:s7] =	dma.local [spmem:s10], $0xED0  }
0x32: {  	_ =	swait.ge [sflag:s11], $0xED0  }
0x33: {  	[sflag:s11] =	ssyncset.done $0x0  }
0x34: {  	[sflag:s11] =	ssyncadd.s32 $0xFFFFF130  }
0x35: {  	_ =	sfence.sel $0x180000  }
0x36: {  	[bflag:$0x0] =	sbarrier.arrive $0xFFFF  }
0x37: {  	p0 =	sne.s32 s1, $0x0;
	_ =	strace $0x90000050  }
0x38: {  	s0 =	sadd.s32 @!p0 $0x100000, s0;
	[bflag:$0x2] =	sbarrier.arrive $0xFFFF  }
0x39: {  	[sflag:s0] =	ssyncadd.tile.s32 @!p0 $0x1;
	_ =	shalt  }
.Lfunc_end2:
_tile_overlayer_lowered:
.L_overlay_start_2:
0x3a: {  	(tag) =	ssettag $0x2  }
0x3b: {  	s0 =	rddreg [dreg:$0x0];
	s2 =	stileid.u32  }
0x3c: {  	s1 =	rddreg [dreg:$0x1];
	p0 =	sne.s32 s2, $0x0  }
0x3d: {  	s3 =	rddreg [dreg:$0x2];
	[bflag:$0x3] =	sbarrier.arrive $0xFFFF;
	s2 =	simm.s32 @!p0 $0x1C02  }
0x3e: {  	[timem:s3], [sflag:s2] =	dma.local @!p0 [hbm:s0], s1  }
0x3f: {  	s0 =	simm.s32 @!p0 $0x2  }
0x40: {  	_ =	swait.ge @!p0 [sflag:s0], s1  }
0x41: {  	s1 =	ssub.s32 @!p0 $0x0, s1;
	[sflag:s0] =	ssyncset.done @!p0 $0x0  }
0x42: {  	[sflag:s0] =	ssyncadd.s32 @!p0 s1  }
0x43: {  	[bflag:$0x3] =	sbarrier.arrive $0xFFFF  }
0x44: {  	_ =	shalt  }

</sc_bundles>
